<compile_context>
chip_gen: v7x
topology: tpu7x:2x2x1
jax: 0.10.2.dev20260603
libtpu: 0.0.44.dev20260713+nightly
codegen_flags: <defaults>
</compile_context>

<pallas_src>
import math

import jax
import jax.numpy as jnp
from jax import lax
from jax.experimental import pallas as pl
from jax.experimental.pallas import tpu as pltpu
from jax.experimental.pallas import tpu_sc as plsc

NUM_EMBEDDINGS = 1000000
D_MODEL = 64
SCALE = math.sqrt(D_MODEL)

B_ROWS = 4096
B_COLS = 50
N_TOTAL = B_ROWS * B_COLS

_INFO = plsc.get_sparse_core_info()
NC = _INFO.num_cores
NS = _INFO.num_subcores
NW = NC * NS
LANES = _INFO.num_lanes

SUB = 128
K_PER_CHUNK = 5
CHUNK = SUB * K_PER_CHUNK
PER_W = N_TOTAL // NW
NCHUNK = PER_W // CHUNK
ROWS_PER_W = PER_W // SUB


def _body(table_hbm, idx_hbm, out_hbm, idx_v, buf0, buf1,
          sem_g0, sem_g1, sem_w0, sem_w1):
    wid = lax.axis_index("s") * NC + lax.axis_index("c")
    out_base = wid * PER_W

    pltpu.sync_copy(idx_hbm.at[wid], idx_v)

    bufs = (buf0, buf1)
    sems_g = (sem_g0, sem_g1)
    sems_w = (sem_w0, sem_w1)

    def fire(ci, b):
        for j in range(K_PER_CHUNK):
            pltpu.async_copy(table_hbm.at[idx_v.at[ci * K_PER_CHUNK + j]],
                             bufs[b].at[pl.ds(j * SUB, SUB)], sems_g[b])

    def drain(ci, b):
        for j in range(K_PER_CHUNK):
            pltpu.make_async_copy(table_hbm.at[idx_v.at[ci * K_PER_CHUNK + j]],
                                  bufs[b].at[pl.ds(j * SUB, SUB)],
                                  sems_g[b]).wait()

    def scale(b):
        buf = bufs[b]

        @plsc.parallel_loop(0, CHUNK, unroll=8)
        def _r(r):
            for v in range(D_MODEL // LANES):
                sl = pl.ds(v * LANES, LANES)
                buf[r, sl] = buf[r, sl] * SCALE

    def out_start(ci, b):
        pltpu.async_copy(bufs[b],
                         out_hbm.at[pl.ds(out_base + ci * CHUNK, CHUNK)],
                         sems_w[b])

    def out_wait(ci, b):
        pltpu.make_async_copy(bufs[b],
                              out_hbm.at[pl.ds(out_base + ci * CHUNK, CHUNK)],
                              sems_w[b]).wait()

    fire(0, 0)
    fire(1, 1)

    def pair(p, _):
        for b in range(2):
            ci = 2 * p + b
            drain(ci, b)
            scale(b)
            out_start(ci, b)
        for b in range(2):
            ci = 2 * p + b
            out_wait(ci, b)
            fire(ci + 2, b)
        return 0

    lax.fori_loop(0, NCHUNK // 2 - 1, pair, 0)

    for b in range(2):
        ci = NCHUNK - 2 + b
        drain(ci, b)
        scale(b)
        out_start(ci, b)
    for b in range(2):
        out_wait(NCHUNK - 2 + b, b)


@jax.jit
def _embed(table, idx3d):
    mesh = plsc.VectorSubcoreMesh(core_axis_name="c", subcore_axis_name="s")
    kern = pl.kernel(
        _body,
        out_type=jax.ShapeDtypeStruct((N_TOTAL, D_MODEL), jnp.float32),
        mesh=mesh,
        scratch_types=[
            pltpu.VMEM((ROWS_PER_W, SUB), jnp.int32),
            pltpu.VMEM((CHUNK, D_MODEL), jnp.float32),
            pltpu.VMEM((CHUNK, D_MODEL), jnp.float32),
            pltpu.SemaphoreType.DMA,
            pltpu.SemaphoreType.DMA,
            pltpu.SemaphoreType.DMA,
            pltpu.SemaphoreType.DMA,
        ],
        compiler_params=pltpu.CompilerParams(use_tc_tiling_on_sc=False),
    )
    return kern(table, idx3d)


def kernel(inputs, table):
    idx3d = inputs.reshape(NW, ROWS_PER_W, SUB).astype(jnp.int32)
    out = _embed(table, idx3d)
    return out.reshape(B_ROWS, B_COLS, D_MODEL)

# --- scband reference (transcript-rebuilt; emitter-appended) ---
"""Pipeline reference for scband-embedding-60739427500316 (READ-ONLY COPY).

The authoritative reference and input builder live on the scoring server;
editing this copy changes nothing except your own understanding.
"""

import jax, jax.numpy as jnp
import numpy as np
import math

NUM_EMBEDDINGS = 1000000
PAD_ID = 0
D_MODEL = 64
SQRT_DIM = math.sqrt(D_MODEL)


def setup_inputs(seed: int = 0) -> dict:
    key = jax.random.key(seed)
    k1, k2 = jax.random.split(key)
    inputs = jax.random.randint(k1, (4096, 50), 0, NUM_EMBEDDINGS)
    # nn.Embedding weight ~ N(0,1); padding_idx row is zeroed
    table = jax.random.normal(k2, (NUM_EMBEDDINGS, D_MODEL), dtype=jnp.float32)
    table = table.at[PAD_ID].set(0.0)
    return {"inputs": inputs, "table": table}


def reference(inputs, table):
    # embedding lookup (gather) followed by scale by sqrt(d_model)
    out = jnp.take(table, inputs, axis=0) * SQRT_DIM
    return out

if __name__ == "__main__":
    import jax
    _d = setup_inputs()
    print(jax.jit(kernel)(*tuple(_d.values())))

</pallas_src>

<mosaic_0001>
#map = affine_map<(d0, d1) -> (0, 0)>
#map1 = affine_map<(d0, d1) -> (0, 0, 0)>
module attributes {stable_mosaic.version = 14 : i64} {
  func.func @_body(%arg0: i32, %arg1: i32, %arg2: memref<1000000x64xf32, #tpu.memory_space<hbm>>, %arg3: memref<32x50x128xi32, #tpu.memory_space<hbm>>, %arg4: memref<204800x64xf32, #tpu.memory_space<hbm>>, %arg5: memref<50x128xi32, #tpu.memory_space<vmem>>, %arg6: memref<640x64xf32, #tpu.memory_space<vmem>>, %arg7: memref<640x64xf32, #tpu.memory_space<vmem>>, %arg8: memref<!tpu.dma_semaphore, #tpu.memory_space<semaphore_mem>>, %arg9: memref<!tpu.dma_semaphore, #tpu.memory_space<semaphore_mem>>, %arg10: memref<!tpu.dma_semaphore, #tpu.memory_space<semaphore_mem>>, %arg11: memref<!tpu.dma_semaphore, #tpu.memory_space<semaphore_mem>>) attributes {dimension_semantics = [#tpu.dimension_semantics<core_parallel>, #tpu.dimension_semantics<subcore_parallel>], iteration_bounds = array<i64: 2, 16>, scalar_prefetch = 0 : i64, scratch_operands = 7 : i64, tpu.core_type = #tpu.core_type<sc_vector_subcore>, window_params = [{transform_indices = #map}, {transform_indices = #map1}, {transform_indices = #map}]} {
    %mul3A = arith.constant 2 : i32
    %mul3A_0 = arith.muli %arg1, %mul3A : i32
    %add3A = arith.addi %mul3A_0, %arg0 : i32
    %mul3A_1 = arith.constant 6400 : i32
    %mul3A_2 = arith.muli %add3A, %mul3A_1 : i32
    "tpu.region"() ({
      %run_scoped3A = tpu.sem_alloc : memref<!tpu.dma_semaphore, #tpu.memory_space<semaphore_mem>>
      %dma_start3A_236 = arith.constant 0 : i32
      %dma_start3A_237 = arith.constant 0 : i32
      %dma_start3A_238 = tpu.memref_slice %arg3[%add3A, %dma_start3A_236, %dma_start3A_237] : memref<32x50x128xi32, #tpu.memory_space<hbm>> -> memref<1x50x128xi32, #tpu.memory_space<hbm>>
      %dma_start3A_239 = tpu.memref_squeeze %dma_start3A_238 : memref<1x50x128xi32, #tpu.memory_space<hbm>> -> memref<50x128xi32, #tpu.memory_space<hbm>>
      %dma_start3A_240 = arith.constant 0 : i32
      %dma_start3A_241 = arith.constant 0 : i32
      %dma_start3A_242 = tpu.memref_slice %arg3[%add3A, %dma_start3A_240, %dma_start3A_241] : memref<32x50x128xi32, #tpu.memory_space<hbm>> -> memref<1x50x128xi32, #tpu.memory_space<hbm>>
      %dma_start3A_243 = tpu.memref_squeeze %dma_start3A_242 : memref<1x50x128xi32, #tpu.memory_space<hbm>> -> memref<50x128xi32, #tpu.memory_space<hbm>>
      tpu.enqueue_dma source(%dma_start3A_243 : memref<50x128xi32, #tpu.memory_space<hbm>>) target(%arg5 : memref<50x128xi32, #tpu.memory_space<vmem>>) target_semaphore(%run_scoped3A : memref<!tpu.dma_semaphore, #tpu.memory_space<semaphore_mem>>)
      %dma_wait3A_244 = arith.constant 0 : i32
      %dma_wait3A_245 = arith.constant 0 : i32
      %dma_wait3A_246 = tpu.memref_slice %arg3[%add3A, %dma_wait3A_244, %dma_wait3A_245] : memref<32x50x128xi32, #tpu.memory_space<hbm>> -> memref<1x50x128xi32, #tpu.memory_space<hbm>>
      %dma_wait3A_247 = tpu.memref_squeeze %dma_wait3A_246 : memref<1x50x128xi32, #tpu.memory_space<hbm>> -> memref<50x128xi32, #tpu.memory_space<hbm>>
      %dma_wait3A_248 = arith.constant 0 : i32
      %dma_wait3A_249 = arith.constant 0 : i32
      %dma_wait3A_250 = tpu.memref_slice %arg3[%add3A, %dma_wait3A_248, %dma_wait3A_249] : memref<32x50x128xi32, #tpu.memory_space<hbm>> -> memref<1x50x128xi32, #tpu.memory_space<hbm>>
      %dma_wait3A_251 = tpu.memref_squeeze %dma_wait3A_250 : memref<1x50x128xi32, #tpu.memory_space<hbm>> -> memref<50x128xi32, #tpu.memory_space<hbm>>
      tpu.wait_dma2 semaphore(%run_scoped3A : memref<!tpu.dma_semaphore, #tpu.memory_space<semaphore_mem>>) src(%dma_wait3A_251 : memref<50x128xi32, #tpu.memory_space<hbm>>) dst(%arg5 : memref<50x128xi32, #tpu.memory_space<vmem>>)
      tpu.yield
    }) : () -> ()
    %dma_start3A = arith.constant 0 : i32
    %dma_start3A_3 = arith.constant 0 : i32
    %dma_start3A_4 = arith.constant 0 : i32
    %dma_start3A_5 = tpu.memref_slice %arg6[%dma_start3A_3, %dma_start3A_4] : memref<640x64xf32, #tpu.memory_space<vmem>> -> memref<128x64xf32, #tpu.memory_space<vmem>>
    %dma_start3A_6 = arith.constant 0 : i32
    %dma_start3A_7 = tpu.memref_slice %arg5[%dma_start3A, %dma_start3A_6] : memref<50x128xi32, #tpu.memory_space<vmem>> -> memref<1x128xi32, #tpu.memory_space<vmem>>
    %dma_start3A_8 = tpu.memref_squeeze %dma_start3A_7 : memref<1x128xi32, #tpu.memory_space<vmem>> -> memref<128xi32, #tpu.memory_space<vmem>>
    %dma_start3A_9 = arith.constant 0 : i32
    %dma_start3A_10 = arith.constant 0 : i32
    %dma_start3A_11 = tpu.memref_slice %arg2[%dma_start3A_9, %dma_start3A_10] : memref<1000000x64xf32, #tpu.memory_space<hbm>> -> memref<1000000x64xf32, #tpu.memory_space<hbm>>
    tpu.enqueue_indirect_dma source(%dma_start3A_11 : memref<1000000x64xf32, #tpu.memory_space<hbm>>) target(%dma_start3A_5 : memref<128x64xf32, #tpu.memory_space<vmem>>) offsets(%dma_start3A_8 : memref<128xi32, #tpu.memory_space<vmem>>) semaphore(%arg8 : memref<!tpu.dma_semaphore, #tpu.memory_space<semaphore_mem>>)
    %dma_start3A_12 = arith.constant 1 : i32
    %dma_start3A_13 = arith.constant 128 : i32
    %dma_start3A_14 = arith.constant 0 : i32
    %dma_start3A_15 = tpu.memref_slice %arg6[%dma_start3A_13, %dma_start3A_14] : memref<640x64xf32, #tpu.memory_space<vmem>> -> memref<128x64xf32, #tpu.memory_space<vmem>>
    %dma_start3A_16 = arith.constant 0 : i32
    %dma_start3A_17 = tpu.memref_slice %arg5[%dma_start3A_12, %dma_start3A_16] : memref<50x128xi32, #tpu.memory_space<vmem>> -> memref<1x128xi32, #tpu.memory_space<vmem>>
    %dma_start3A_18 = tpu.memref_squeeze %dma_start3A_17 : memref<1x128xi32, #tpu.memory_space<vmem>> -> memref<128xi32, #tpu.memory_space<vmem>>
    %dma_start3A_19 = arith.constant 0 : i32
    %dma_start3A_20 = arith.constant 0 : i32
    %dma_start3A_21 = tpu.memref_slice %arg2[%dma_start3A_19, %dma_start3A_20] : memref<1000000x64xf32, #tpu.memory_space<hbm>> -> memref<1000000x64xf32, #tpu.memory_space<hbm>>
    tpu.enqueue_indirect_dma source(%dma_start3A_21 : memref<1000000x64xf32, #tpu.memory_space<hbm>>) target(%dma_start3A_15 : memref<128x64xf32, #tpu.memory_space<vmem>>) offsets(%dma_start3A_18 : memref<128xi32, #tpu.memory_space<vmem>>) semaphore(%arg8 : memref<!tpu.dma_semaphore, #tpu.memory_space<semaphore_mem>>)
    %dma_start3A_22 = arith.constant 2 : i32
    %dma_start3A_23 = arith.constant 256 : i32
    %dma_start3A_24 = arith.constant 0 : i32
    %dma_start3A_25 = tpu.memref_slice %arg6[%dma_start3A_23, %dma_start3A_24] : memref<640x64xf32, #tpu.memory_space<vmem>> -> memref<128x64xf32, #tpu.memory_space<vmem>>
    %dma_start3A_26 = arith.constant 0 : i32
    %dma_start3A_27 = tpu.memref_slice %arg5[%dma_start3A_22, %dma_start3A_26] : memref<50x128xi32, #tpu.memory_space<vmem>> -> memref<1x128xi32, #tpu.memory_space<vmem>>
    %dma_start3A_28 = tpu.memref_squeeze %dma_start3A_27 : memref<1x128xi32, #tpu.memory_space<vmem>> -> memref<128xi32, #tpu.memory_space<vmem>>
    %dma_start3A_29 = arith.constant 0 : i32
    %dma_start3A_30 = arith.constant 0 : i32
    %dma_start3A_31 = tpu.memref_slice %arg2[%dma_start3A_29, %dma_start3A_30] : memref<1000000x64xf32, #tpu.memory_space<hbm>> -> memref<1000000x64xf32, #tpu.memory_space<hbm>>
    tpu.enqueue_indirect_dma source(%dma_start3A_31 : memref<1000000x64xf32, #tpu.memory_space<hbm>>) target(%dma_start3A_25 : memref<128x64xf32, #tpu.memory_space<vmem>>) offsets(%dma_start3A_28 : memref<128xi32, #tpu.memory_space<vmem>>) semaphore(%arg8 : memref<!tpu.dma_semaphore, #tpu.memory_space<semaphore_mem>>)
    %dma_start3A_32 = arith.constant 3 : i32
    %dma_start3A_33 = arith.constant 384 : i32
    %dma_start3A_34 = arith.constant 0 : i32
    %dma_start3A_35 = tpu.memref_slice %arg6[%dma_start3A_33, %dma_start3A_34] : memref<640x64xf32, #tpu.memory_space<vmem>> -> memref<128x64xf32, #tpu.memory_space<vmem>>
    %dma_start3A_36 = arith.constant 0 : i32
    %dma_start3A_37 = tpu.memref_slice %arg5[%dma_start3A_32, %dma_start3A_36] : memref<50x128xi32, #tpu.memory_space<vmem>> -> memref<1x128xi32, #tpu.memory_space<vmem>>
    %dma_start3A_38 = tpu.memref_squeeze %dma_start3A_37 : memref<1x128xi32, #tpu.memory_space<vmem>> -> memref<128xi32, #tpu.memory_space<vmem>>
    %dma_start3A_39 = arith.constant 0 : i32
    %dma_start3A_40 = arith.constant 0 : i32
    %dma_start3A_41 = tpu.memref_slice %arg2[%dma_start3A_39, %dma_start3A_40] : memref<1000000x64xf32, #tpu.memory_space<hbm>> -> memref<1000000x64xf32, #tpu.memory_space<hbm>>
    tpu.enqueue_indirect_dma source(%dma_start3A_41 : memref<1000000x64xf32, #tpu.memory_space<hbm>>) target(%dma_start3A_35 : memref<128x64xf32, #tpu.memory_space<vmem>>) offsets(%dma_start3A_38 : memref<128xi32, #tpu.memory_space<vmem>>) semaphore(%arg8 : memref<!tpu.dma_semaphore, #tpu.memory_space<semaphore_mem>>)
    %dma_start3A_42 = arith.constant 4 : i32
    %dma_start3A_43 = arith.constant 512 : i32
    %dma_start3A_44 = arith.constant 0 : i32
    %dma_start3A_45 = tpu.memref_slice %arg6[%dma_start3A_43, %dma_start3A_44] : memref<640x64xf32, #tpu.memory_space<vmem>> -> memref<128x64xf32, #tpu.memory_space<vmem>>
    %dma_start3A_46 = arith.constant 0 : i32
    %dma_start3A_47 = tpu.memref_slice %arg5[%dma_start3A_42, %dma_start3A_46] : memref<50x128xi32, #tpu.memory_space<vmem>> -> memref<1x128xi32, #tpu.memory_space<vmem>>
    %dma_start3A_48 = tpu.memref_squeeze %dma_start3A_47 : memref<1x128xi32, #tpu.memory_space<vmem>> -> memref<128xi32, #tpu.memory_space<vmem>>
    %dma_start3A_49 = arith.constant 0 : i32
    %dma_start3A_50 = arith.constant 0 : i32
    %dma_start3A_51 = tpu.memref_slice %arg2[%dma_start3A_49, %dma_start3A_50] : memref<1000000x64xf32, #tpu.memory_space<hbm>> -> memref<1000000x64xf32, #tpu.memory_space<hbm>>
    tpu.enqueue_indirect_dma source(%dma_start3A_51 : memref<1000000x64xf32, #tpu.memory_space<hbm>>) target(%dma_start3A_45 : memref<128x64xf32, #tpu.memory_space<vmem>>) offsets(%dma_start3A_48 : memref<128xi32, #tpu.memory_space<vmem>>) semaphore(%arg8 : memref<!tpu.dma_semaphore, #tpu.memory_space<semaphore_mem>>)
    %dma_start3A_52 = arith.constant 5 : i32
    %dma_start3A_53 = arith.constant 0 : i32
    %dma_start3A_54 = arith.constant 0 : i32
    %dma_start3A_55 = tpu.memref_slice %arg7[%dma_start3A_53, %dma_start3A_54] : memref<640x64xf32, #tpu.memory_space<vmem>> -> memref<128x64xf32, #tpu.memory_space<vmem>>
    %dma_start3A_56 = arith.constant 0 : i32
    %dma_start3A_57 = tpu.memref_slice %arg5[%dma_start3A_52, %dma_start3A_56] : memref<50x128xi32, #tpu.memory_space<vmem>> -> memref<1x128xi32, #tpu.memory_space<vmem>>
    %dma_start3A_58 = tpu.memref_squeeze %dma_start3A_57 : memref<1x128xi32, #tpu.memory_space<vmem>> -> memref<128xi32, #tpu.memory_space<vmem>>
    %dma_start3A_59 = arith.constant 0 : i32
    %dma_start3A_60 = arith.constant 0 : i32
    %dma_start3A_61 = tpu.memref_slice %arg2[%dma_start3A_59, %dma_start3A_60] : memref<1000000x64xf32, #tpu.memory_space<hbm>> -> memref<1000000x64xf32, #tpu.memory_space<hbm>>
    tpu.enqueue_indirect_dma source(%dma_start3A_61 : memref<1000000x64xf32, #tpu.memory_space<hbm>>) target(%dma_start3A_55 : memref<128x64xf32, #tpu.memory_space<vmem>>) offsets(%dma_start3A_58 : memref<128xi32, #tpu.memory_space<vmem>>) semaphore(%arg9 : memref<!tpu.dma_semaphore, #tpu.memory_space<semaphore_mem>>)
    %dma_start3A_62 = arith.constant 6 : i32
    %dma_start3A_63 = arith.constant 128 : i32
    %dma_start3A_64 = arith.constant 0 : i32
    %dma_start3A_65 = tpu.memref_slice %arg7[%dma_start3A_63, %dma_start3A_64] : memref<640x64xf32, #tpu.memory_space<vmem>> -> memref<128x64xf32, #tpu.memory_space<vmem>>
    %dma_start3A_66 = arith.constant 0 : i32
    %dma_start3A_67 = tpu.memref_slice %arg5[%dma_start3A_62, %dma_start3A_66] : memref<50x128xi32, #tpu.memory_space<vmem>> -> memref<1x128xi32, #tpu.memory_space<vmem>>
    %dma_start3A_68 = tpu.memref_squeeze %dma_start3A_67 : memref<1x128xi32, #tpu.memory_space<vmem>> -> memref<128xi32, #tpu.memory_space<vmem>>
    %dma_start3A_69 = arith.constant 0 : i32
    %dma_start3A_70 = arith.constant 0 : i32
    %dma_start3A_71 = tpu.memref_slice %arg2[%dma_start3A_69, %dma_start3A_70] : memref<1000000x64xf32, #tpu.memory_space<hbm>> -> memref<1000000x64xf32, #tpu.memory_space<hbm>>
    tpu.enqueue_indirect_dma source(%dma_start3A_71 : memref<1000000x64xf32, #tpu.memory_space<hbm>>) target(%dma_start3A_65 : memref<128x64xf32, #tpu.memory_space<vmem>>) offsets(%dma_start3A_68 : memref<128xi32, #tpu.memory_space<vmem>>) semaphore(%arg9 : memref<!tpu.dma_semaphore, #tpu.memory_space<semaphore_mem>>)
    %dma_start3A_72 = arith.constant 7 : i32
    %dma_start3A_73 = arith.constant 256 : i32
    %dma_start3A_74 = arith.constant 0 : i32
    %dma_start3A_75 = tpu.memref_slice %arg7[%dma_start3A_73, %dma_start3A_74] : memref<640x64xf32, #tpu.memory_space<vmem>> -> memref<128x64xf32, #tpu.memory_space<vmem>>
    %dma_start3A_76 = arith.constant 0 : i32
    %dma_start3A_77 = tpu.memref_slice %arg5[%dma_start3A_72, %dma_start3A_76] : memref<50x128xi32, #tpu.memory_space<vmem>> -> memref<1x128xi32, #tpu.memory_space<vmem>>
    %dma_start3A_78 = tpu.memref_squeeze %dma_start3A_77 : memref<1x128xi32, #tpu.memory_space<vmem>> -> memref<128xi32, #tpu.memory_space<vmem>>
    %dma_start3A_79 = arith.constant 0 : i32
    %dma_start3A_80 = arith.constant 0 : i32
    %dma_start3A_81 = tpu.memref_slice %arg2[%dma_start3A_79, %dma_start3A_80] : memref<1000000x64xf32, #tpu.memory_space<hbm>> -> memref<1000000x64xf32, #tpu.memory_space<hbm>>
    tpu.enqueue_indirect_dma source(%dma_start3A_81 : memref<1000000x64xf32, #tpu.memory_space<hbm>>) target(%dma_start3A_75 : memref<128x64xf32, #tpu.memory_space<vmem>>) offsets(%dma_start3A_78 : memref<128xi32, #tpu.memory_space<vmem>>) semaphore(%arg9 : memref<!tpu.dma_semaphore, #tpu.memory_space<semaphore_mem>>)
    %dma_start3A_82 = arith.constant 8 : i32
    %dma_start3A_83 = arith.constant 384 : i32
    %dma_start3A_84 = arith.constant 0 : i32
    %dma_start3A_85 = tpu.memref_slice %arg7[%dma_start3A_83, %dma_start3A_84] : memref<640x64xf32, #tpu.memory_space<vmem>> -> memref<128x64xf32, #tpu.memory_space<vmem>>
    %dma_start3A_86 = arith.constant 0 : i32
    %dma_start3A_87 = tpu.memref_slice %arg5[%dma_start3A_82, %dma_start3A_86] : memref<50x128xi32, #tpu.memory_space<vmem>> -> memref<1x128xi32, #tpu.memory_space<vmem>>
    %dma_start3A_88 = tpu.memref_squeeze %dma_start3A_87 : memref<1x128xi32, #tpu.memory_space<vmem>> -> memref<128xi32, #tpu.memory_space<vmem>>
    %dma_start3A_89 = arith.constant 0 : i32
    %dma_start3A_90 = arith.constant 0 : i32
    %dma_start3A_91 = tpu.memref_slice %arg2[%dma_start3A_89, %dma_start3A_90] : memref<1000000x64xf32, #tpu.memory_space<hbm>> -> memref<1000000x64xf32, #tpu.memory_space<hbm>>
    tpu.enqueue_indirect_dma source(%dma_start3A_91 : memref<1000000x64xf32, #tpu.memory_space<hbm>>) target(%dma_start3A_85 : memref<128x64xf32, #tpu.memory_space<vmem>>) offsets(%dma_start3A_88 : memref<128xi32, #tpu.memory_space<vmem>>) semaphore(%arg9 : memref<!tpu.dma_semaphore, #tpu.memory_space<semaphore_mem>>)
    %dma_start3A_92 = arith.constant 9 : i32
    %dma_start3A_93 = arith.constant 512 : i32
    %dma_start3A_94 = arith.constant 0 : i32
    %dma_start3A_95 = tpu.memref_slice %arg7[%dma_start3A_93, %dma_start3A_94] : memref<640x64xf32, #tpu.memory_space<vmem>> -> memref<128x64xf32, #tpu.memory_space<vmem>>
    %dma_start3A_96 = arith.constant 0 : i32
    %dma_start3A_97 = tpu.memref_slice %arg5[%dma_start3A_92, %dma_start3A_96] : memref<50x128xi32, #tpu.memory_space<vmem>> -> memref<1x128xi32, #tpu.memory_space<vmem>>
    %dma_start3A_98 = tpu.memref_squeeze %dma_start3A_97 : memref<1x128xi32, #tpu.memory_space<vmem>> -> memref<128xi32, #tpu.memory_space<vmem>>
    %dma_start3A_99 = arith.constant 0 : i32
    %dma_start3A_100 = arith.constant 0 : i32
    %dma_start3A_101 = tpu.memref_slice %arg2[%dma_start3A_99, %dma_start3A_100] : memref<1000000x64xf32, #tpu.memory_space<hbm>> -> memref<1000000x64xf32, #tpu.memory_space<hbm>>
    tpu.enqueue_indirect_dma source(%dma_start3A_101 : memref<1000000x64xf32, #tpu.memory_space<hbm>>) target(%dma_start3A_95 : memref<128x64xf32, #tpu.memory_space<vmem>>) offsets(%dma_start3A_98 : memref<128xi32, #tpu.memory_space<vmem>>) semaphore(%arg9 : memref<!tpu.dma_semaphore, #tpu.memory_space<semaphore_mem>>)
    %scan3A = arith.constant 0 : i32
    %scan3A_102 = arith.constant 0 : i32
    %scan3A_103 = arith.constant 4 : i32
    %scan3A_104 = arith.addi %scan3A_102, %scan3A_103 : i32
    %scan3A_105 = arith.constant 1 : i32
    %scan3A_106 = scf.for %scan3A_236 = %scan3A_102 to %scan3A_104 step %scan3A_105 iter_args(%scan3A_237 = %scan3A) -> (i32)  : i32 {
      %mul3A_238 = arith.constant 2 : i32
      %mul3A_239 = arith.muli %mul3A_238, %scan3A_236 : i32
      %add3A_240 = arith.constant 0 : i32
      %add3A_241 = arith.addi %mul3A_239, %add3A_240 : i32
      %mul3A_242 = arith.constant 5 : i32
      %mul3A_243 = arith.muli %add3A_241, %mul3A_242 : i32
      %add3A_244 = arith.constant 0 : i32
      %add3A_245 = arith.addi %mul3A_243, %add3A_244 : i32
      %dma_wait3A_246 = arith.constant 0 : i32
      %dma_wait3A_247 = arith.constant 0 : i32
      %dma_wait3A_248 = tpu.memref_slice %arg6[%dma_wait3A_246, %dma_wait3A_247] : memref<640x64xf32, #tpu.memory_space<vmem>> -> memref<128x64xf32, #tpu.memory_space<vmem>>
      %dma_wait3A_249 = arith.constant 0 : i32
      %dma_wait3A_250 = tpu.memref_slice %arg5[%add3A_245, %dma_wait3A_249] : memref<50x128xi32, #tpu.memory_space<vmem>> -> memref<1x128xi32, #tpu.memory_space<vmem>>
      %dma_wait3A_251 = tpu.memref_squeeze %dma_wait3A_250 : memref<1x128xi32, #tpu.memory_space<vmem>> -> memref<128xi32, #tpu.memory_space<vmem>>
      %dma_wait3A_252 = arith.constant 0 : i32
      %dma_wait3A_253 = arith.constant 0 : i32
      %dma_wait3A_254 = tpu.memref_slice %arg2[%dma_wait3A_252, %dma_wait3A_253] : memref<1000000x64xf32, #tpu.memory_space<hbm>> -> memref<1000000x64xf32, #tpu.memory_space<hbm>>
      tpu.wait_indirect_dma semaphore(%arg8 : memref<!tpu.dma_semaphore, #tpu.memory_space<semaphore_mem>>) src(%dma_wait3A_254 : memref<1000000x64xf32, #tpu.memory_space<hbm>>) dst(%dma_wait3A_248 : memref<128x64xf32, #tpu.memory_space<vmem>>)
      %mul3A_255 = arith.constant 5 : i32
      %mul3A_256 = arith.muli %add3A_241, %mul3A_255 : i32
      %add3A_257 = arith.constant 1 : i32
      %add3A_258 = arith.addi %mul3A_256, %add3A_257 : i32
      %dma_wait3A_259 = arith.constant 128 : i32
      %dma_wait3A_260 = arith.constant 0 : i32
      %dma_wait3A_261 = tpu.memref_slice %arg6[%dma_wait3A_259, %dma_wait3A_260] : memref<640x64xf32, #tpu.memory_space<vmem>> -> memref<128x64xf32, #tpu.memory_space<vmem>>
      %dma_wait3A_262 = arith.constant 0 : i32
      %dma_wait3A_263 = tpu.memref_slice %arg5[%add3A_258, %dma_wait3A_262] : memref<50x128xi32, #tpu.memory_space<vmem>> -> memref<1x128xi32, #tpu.memory_space<vmem>>
      %dma_wait3A_264 = tpu.memref_squeeze %dma_wait3A_263 : memref<1x128xi32, #tpu.memory_space<vmem>> -> memref<128xi32, #tpu.memory_space<vmem>>
      %dma_wait3A_265 = arith.constant 0 : i32
      %dma_wait3A_266 = arith.constant 0 : i32
      %dma_wait3A_267 = tpu.memref_slice %arg2[%dma_wait3A_265, %dma_wait3A_266] : memref<1000000x64xf32, #tpu.memory_space<hbm>> -> memref<1000000x64xf32, #tpu.memory_space<hbm>>
      tpu.wait_indirect_dma semaphore(%arg8 : memref<!tpu.dma_semaphore, #tpu.memory_space<semaphore_mem>>) src(%dma_wait3A_267 : memref<1000000x64xf32, #tpu.memory_space<hbm>>) dst(%dma_wait3A_261 : memref<128x64xf32, #tpu.memory_space<vmem>>)
      %mul3A_268 = arith.constant 5 : i32
      %mul3A_269 = arith.muli %add3A_241, %mul3A_268 : i32
      %add3A_270 = arith.constant 2 : i32
      %add3A_271 = arith.addi %mul3A_269, %add3A_270 : i32
      %dma_wait3A_272 = arith.constant 256 : i32
      %dma_wait3A_273 = arith.constant 0 : i32
      %dma_wait3A_274 = tpu.memref_slice %arg6[%dma_wait3A_272, %dma_wait3A_273] : memref<640x64xf32, #tpu.memory_space<vmem>> -> memref<128x64xf32, #tpu.memory_space<vmem>>
      %dma_wait3A_275 = arith.constant 0 : i32
      %dma_wait3A_276 = tpu.memref_slice %arg5[%add3A_271, %dma_wait3A_275] : memref<50x128xi32, #tpu.memory_space<vmem>> -> memref<1x128xi32, #tpu.memory_space<vmem>>
      %dma_wait3A_277 = tpu.memref_squeeze %dma_wait3A_276 : memref<1x128xi32, #tpu.memory_space<vmem>> -> memref<128xi32, #tpu.memory_space<vmem>>
      %dma_wait3A_278 = arith.constant 0 : i32
      %dma_wait3A_279 = arith.constant 0 : i32
      %dma_wait3A_280 = tpu.memref_slice %arg2[%dma_wait3A_278, %dma_wait3A_279] : memref<1000000x64xf32, #tpu.memory_space<hbm>> -> memref<1000000x64xf32, #tpu.memory_space<hbm>>
      tpu.wait_indirect_dma semaphore(%arg8 : memref<!tpu.dma_semaphore, #tpu.memory_space<semaphore_mem>>) src(%dma_wait3A_280 : memref<1000000x64xf32, #tpu.memory_space<hbm>>) dst(%dma_wait3A_274 : memref<128x64xf32, #tpu.memory_space<vmem>>)
      %mul3A_281 = arith.constant 5 : i32
      %mul3A_282 = arith.muli %add3A_241, %mul3A_281 : i32
      %add3A_283 = arith.constant 3 : i32
      %add3A_284 = arith.addi %mul3A_282, %add3A_283 : i32
      %dma_wait3A_285 = arith.constant 384 : i32
      %dma_wait3A_286 = arith.constant 0 : i32
      %dma_wait3A_287 = tpu.memref_slice %arg6[%dma_wait3A_285, %dma_wait3A_286] : memref<640x64xf32, #tpu.memory_space<vmem>> -> memref<128x64xf32, #tpu.memory_space<vmem>>
      %dma_wait3A_288 = arith.constant 0 : i32
      %dma_wait3A_289 = tpu.memref_slice %arg5[%add3A_284, %dma_wait3A_288] : memref<50x128xi32, #tpu.memory_space<vmem>> -> memref<1x128xi32, #tpu.memory_space<vmem>>
      %dma_wait3A_290 = tpu.memref_squeeze %dma_wait3A_289 : memref<1x128xi32, #tpu.memory_space<vmem>> -> memref<128xi32, #tpu.memory_space<vmem>>
      %dma_wait3A_291 = arith.constant 0 : i32
      %dma_wait3A_292 = arith.constant 0 : i32
      %dma_wait3A_293 = tpu.memref_slice %arg2[%dma_wait3A_291, %dma_wait3A_292] : memref<1000000x64xf32, #tpu.memory_space<hbm>> -> memref<1000000x64xf32, #tpu.memory_space<hbm>>
      tpu.wait_indirect_dma semaphore(%arg8 : memref<!tpu.dma_semaphore, #tpu.memory_space<semaphore_mem>>) src(%dma_wait3A_293 : memref<1000000x64xf32, #tpu.memory_space<hbm>>) dst(%dma_wait3A_287 : memref<128x64xf32, #tpu.memory_space<vmem>>)
      %mul3A_294 = arith.constant 5 : i32
      %mul3A_295 = arith.muli %add3A_241, %mul3A_294 : i32
      %add3A_296 = arith.constant 4 : i32
      %add3A_297 = arith.addi %mul3A_295, %add3A_296 : i32
      %dma_wait3A_298 = arith.constant 512 : i32
      %dma_wait3A_299 = arith.constant 0 : i32
      %dma_wait3A_300 = tpu.memref_slice %arg6[%dma_wait3A_298, %dma_wait3A_299] : memref<640x64xf32, #tpu.memory_space<vmem>> -> memref<128x64xf32, #tpu.memory_space<vmem>>
      %dma_wait3A_301 = arith.constant 0 : i32
      %dma_wait3A_302 = tpu.memref_slice %arg5[%add3A_297, %dma_wait3A_301] : memref<50x128xi32, #tpu.memory_space<vmem>> -> memref<1x128xi32, #tpu.memory_space<vmem>>
      %dma_wait3A_303 = tpu.memref_squeeze %dma_wait3A_302 : memref<1x128xi32, #tpu.memory_space<vmem>> -> memref<128xi32, #tpu.memory_space<vmem>>
      %dma_wait3A_304 = arith.constant 0 : i32
      %dma_wait3A_305 = arith.constant 0 : i32
      %dma_wait3A_306 = tpu.memref_slice %arg2[%dma_wait3A_304, %dma_wait3A_305] : memref<1000000x64xf32, #tpu.memory_space<hbm>> -> memref<1000000x64xf32, #tpu.memory_space<hbm>>
      tpu.wait_indirect_dma semaphore(%arg8 : memref<!tpu.dma_semaphore, #tpu.memory_space<semaphore_mem>>) src(%dma_wait3A_306 : memref<1000000x64xf32, #tpu.memory_space<hbm>>) dst(%dma_wait3A_300 : memref<128x64xf32, #tpu.memory_space<vmem>>)
      %parallel_loop3A_307 = arith.constant 0 : i32
      %parallel_loop3A_308 = arith.constant 640 : i32
      %parallel_loop3A_309 = arith.constant 1 : i32
      scf.for %parallel_loop3A_553 = %parallel_loop3A_307 to %parallel_loop3A_308 step %parallel_loop3A_309  : i32 {
        %parallel_loop3A_554 = arith.index_cast %parallel_loop3A_553 : i32 to index
        %parallel_loop3A_555 = arith.constant 0 : index
        %parallel_loop3A_556 = tpu.vector_load %arg6[%parallel_loop3A_554, %parallel_loop3A_555] {strides = array<i32>} : memref<640x64xf32, #tpu.memory_space<vmem>>, vector<1x16xf32>,
        %parallel_loop3A_557 = vector.shape_cast %parallel_loop3A_556 : vector<1x16xf32> to vector<16xf32>
        %parallel_loop3A_558 = arith.constant 8.000000e+00 : f32
        %parallel_loop3A_559 = vector.broadcast %parallel_loop3A_558 : f32 to vector<16xf32>
        %parallel_loop3A_560 = arith.mulf %parallel_loop3A_557, %parallel_loop3A_559 : vector<16xf32>
        %parallel_loop3A_561 = arith.index_cast %parallel_loop3A_553 : i32 to index
        %parallel_loop3A_562 = arith.constant 0 : index
        %parallel_loop3A_563 = tpu.vector_load %arg6[%parallel_loop3A_561, %parallel_loop3A_562] {strides = array<i32>} : memref<640x64xf32, #tpu.memory_space<vmem>>, vector<1x16xf32>,
        %parallel_loop3A_564 = vector.shape_cast %parallel_loop3A_563 : vector<1x16xf32> to vector<16xf32>
        %parallel_loop3A_565 = vector.shape_cast %parallel_loop3A_560 : vector<16xf32> to vector<1x16xf32>
        tpu.vector_store %arg6[%parallel_loop3A_561, %parallel_loop3A_562], %parallel_loop3A_565 {strides = array<i32>} : memref<640x64xf32, #tpu.memory_space<vmem>>, vector<1x16xf32>,
        %parallel_loop3A_566 = arith.index_cast %parallel_loop3A_553 : i32 to index
        %parallel_loop3A_567 = arith.constant 16 : index
        %parallel_loop3A_568 = tpu.vector_load %arg6[%parallel_loop3A_566, %parallel_loop3A_567] {strides = array<i32>} : memref<640x64xf32, #tpu.memory_space<vmem>>, vector<1x16xf32>,
        %parallel_loop3A_569 = vector.shape_cast %parallel_loop3A_568 : vector<1x16xf32> to vector<16xf32>
        %parallel_loop3A_570 = arith.constant 8.000000e+00 : f32
        %parallel_loop3A_571 = vector.broadcast %parallel_loop3A_570 : f32 to vector<16xf32>
        %parallel_loop3A_572 = arith.mulf %parallel_loop3A_569, %parallel_loop3A_571 : vector<16xf32>
        %parallel_loop3A_573 = arith.index_cast %parallel_loop3A_553 : i32 to index
        %parallel_loop3A_574 = arith.constant 16 : index
        %parallel_loop3A_575 = tpu.vector_load %arg6[%parallel_loop3A_573, %parallel_loop3A_574] {strides = array<i32>} : memref<640x64xf32, #tpu.memory_space<vmem>>, vector<1x16xf32>,
        %parallel_loop3A_576 = vector.shape_cast %parallel_loop3A_575 : vector<1x16xf32> to vector<16xf32>
        %parallel_loop3A_577 = vector.shape_cast %parallel_loop3A_572 : vector<16xf32> to vector<1x16xf32>
        tpu.vector_store %arg6[%parallel_loop3A_573, %parallel_loop3A_574], %parallel_loop3A_577 {strides = array<i32>} : memref<640x64xf32, #tpu.memory_space<vmem>>, vector<1x16xf32>,
        %parallel_loop3A_578 = arith.index_cast %parallel_loop3A_553 : i32 to index
        %parallel_loop3A_579 = arith.constant 32 : index
        %parallel_loop3A_580 = tpu.vector_load %arg6[%parallel_loop3A_578, %parallel_loop3A_579] {strides = array<i32>} : memref<640x64xf32, #tpu.memory_space<vmem>>, vector<1x16xf32>,
        %parallel_loop3A_581 = vector.shape_cast %parallel_loop3A_580 : vector<1x16xf32> to vector<16xf32>
        %parallel_loop3A_582 = arith.constant 8.000000e+00 : f32
        %parallel_loop3A_583 = vector.broadcast %parallel_loop3A_582 : f32 to vector<16xf32>
        %parallel_loop3A_584 = arith.mulf %parallel_loop3A_581, %parallel_loop3A_583 : vector<16xf32>
        %parallel_loop3A_585 = arith.index_cast %parallel_loop3A_553 : i32 to index
        %parallel_loop3A_586 = arith.constant 32 : index
        %parallel_loop3A_587 = tpu.vector_load %arg6[%parallel_loop3A_585, %parallel_loop3A_586] {strides = array<i32>} : memref<640x64xf32, #tpu.memory_space<vmem>>, vector<1x16xf32>,
        %parallel_loop3A_588 = vector.shape_cast %parallel_loop3A_587 : vector<1x16xf32> to vector<16xf32>
        %parallel_loop3A_589 = vector.shape_cast %parallel_loop3A_584 : vector<16xf32> to vector<1x16xf32>
        tpu.vector_store %arg6[%parallel_loop3A_585, %parallel_loop3A_586], %parallel_loop3A_589 {strides = array<i32>} : memref<640x64xf32, #tpu.memory_space<vmem>>, vector<1x16xf32>,
        %parallel_loop3A_590 = arith.index_cast %parallel_loop3A_553 : i32 to index
        %parallel_loop3A_591 = arith.constant 48 : index
        %parallel_loop3A_592 = tpu.vector_load %arg6[%parallel_loop3A_590, %parallel_loop3A_591] {strides = array<i32>} : memref<640x64xf32, #tpu.memory_space<vmem>>, vector<1x16xf32>,
        %parallel_loop3A_593 = vector.shape_cast %parallel_loop3A_592 : vector<1x16xf32> to vector<16xf32>
        %parallel_loop3A_594 = arith.constant 8.000000e+00 : f32
        %parallel_loop3A_595 = vector.broadcast %parallel_loop3A_594 : f32 to vector<16xf32>
        %parallel_loop3A_596 = arith.mulf %parallel_loop3A_593, %parallel_loop3A_595 : vector<16xf32>
        %parallel_loop3A_597 = arith.index_cast %parallel_loop3A_553 : i32 to index
        %parallel_loop3A_598 = arith.constant 48 : index
        %parallel_loop3A_599 = tpu.vector_load %arg6[%parallel_loop3A_597, %parallel_loop3A_598] {strides = array<i32>} : memref<640x64xf32, #tpu.memory_space<vmem>>, vector<1x16xf32>,
        %parallel_loop3A_600 = vector.shape_cast %parallel_loop3A_599 : vector<1x16xf32> to vector<16xf32>
        %parallel_loop3A_601 = vector.shape_cast %parallel_loop3A_596 : vector<16xf32> to vector<1x16xf32>
        tpu.vector_store %arg6[%parallel_loop3A_597, %parallel_loop3A_598], %parallel_loop3A_601 {strides = array<i32>} : memref<640x64xf32, #tpu.memory_space<vmem>>, vector<1x16xf32>,
      } {sc.loop_unroll_factor = 8 : i64, sc.parallel_access}
      %mul3A_310 = arith.constant 640 : i32
      %mul3A_311 = arith.muli %add3A_241, %mul3A_310 : i32
      %add3A_312 = arith.addi %mul3A_2, %mul3A_311 : i32
      %dma_start3A_313 = arith.constant 0 : i32
      %dma_start3A_314 = tpu.memref_slice %arg4[%add3A_312, %dma_start3A_313] : memref<204800x64xf32, #tpu.memory_space<hbm>> -> memref<640x64xf32, #tpu.memory_space<hbm>>
      %dma_start3A_315 = arith.constant 0 : i32
      %dma_start3A_316 = tpu.memref_slice %arg4[%add3A_312, %dma_start3A_315] : memref<204800x64xf32, #tpu.memory_space<hbm>> -> memref<640x64xf32, #tpu.memory_space<hbm>>
      tpu.enqueue_dma source(%arg6 : memref<640x64xf32, #tpu.memory_space<vmem>>) target(%dma_start3A_316 : memref<640x64xf32, #tpu.memory_space<hbm>>) target_semaphore(%arg10 : memref<!tpu.dma_semaphore, #tpu.memory_space<semaphore_mem>>)
      %mul3A_317 = arith.constant 2 : i32
      %mul3A_318 = arith.muli %mul3A_317, %scan3A_236 : i32
      %add3A_319 = arith.constant 1 : i32
      %add3A_320 = arith.addi %mul3A_318, %add3A_319 : i32
      %mul3A_321 = arith.constant 5 : i32
      %mul3A_322 = arith.muli %add3A_320, %mul3A_321 : i32
      %add3A_323 = arith.constant 0 : i32
      %add3A_324 = arith.addi %mul3A_322, %add3A_323 : i32
      %dma_wait3A_325 = arith.constant 0 : i32
      %dma_wait3A_326 = arith.constant 0 : i32
      %dma_wait3A_327 = tpu.memref_slice %arg7[%dma_wait3A_325, %dma_wait3A_326] : memref<640x64xf32, #tpu.memory_space<vmem>> -> memref<128x64xf32, #tpu.memory_space<vmem>>
      %dma_wait3A_328 = arith.constant 0 : i32
      %dma_wait3A_329 = tpu.memref_slice %arg5[%add3A_324, %dma_wait3A_328] : memref<50x128xi32, #tpu.memory_space<vmem>> -> memref<1x128xi32, #tpu.memory_space<vmem>>
      %dma_wait3A_330 = tpu.memref_squeeze %dma_wait3A_329 : memref<1x128xi32, #tpu.memory_space<vmem>> -> memref<128xi32, #tpu.memory_space<vmem>>
      %dma_wait3A_331 = arith.constant 0 : i32
      %dma_wait3A_332 = arith.constant 0 : i32
      %dma_wait3A_333 = tpu.memref_slice %arg2[%dma_wait3A_331, %dma_wait3A_332] : memref<1000000x64xf32, #tpu.memory_space<hbm>> -> memref<1000000x64xf32, #tpu.memory_space<hbm>>
      tpu.wait_indirect_dma semaphore(%arg9 : memref<!tpu.dma_semaphore, #tpu.memory_space<semaphore_mem>>) src(%dma_wait3A_333 : memref<1000000x64xf32, #tpu.memory_space<hbm>>) dst(%dma_wait3A_327 : memref<128x64xf32, #tpu.memory_space<vmem>>)
      %mul3A_334 = arith.constant 5 : i32
      %mul3A_335 = arith.muli %add3A_320, %mul3A_334 : i32
      %add3A_336 = arith.constant 1 : i32
      %add3A_337 = arith.addi %mul3A_335, %add3A_336 : i32
      %dma_wait3A_338 = arith.constant 128 : i32
      %dma_wait3A_339 = arith.constant 0 : i32
      %dma_wait3A_340 = tpu.memref_slice %arg7[%dma_wait3A_338, %dma_wait3A_339] : memref<640x64xf32, #tpu.memory_space<vmem>> -> memref<128x64xf32, #tpu.memory_space<vmem>>
      %dma_wait3A_341 = arith.constant 0 : i32
      %dma_wait3A_342 = tpu.memref_slice %arg5[%add3A_337, %dma_wait3A_341] : memref<50x128xi32, #tpu.memory_space<vmem>> -> memref<1x128xi32, #tpu.memory_space<vmem>>
      %dma_wait3A_343 = tpu.memref_squeeze %dma_wait3A_342 : memref<1x128xi32, #tpu.memory_space<vmem>> -> memref<128xi32, #tpu.memory_space<vmem>>
      %dma_wait3A_344 = arith.constant 0 : i32
      %dma_wait3A_345 = arith.constant 0 : i32
      %dma_wait3A_346 = tpu.memref_slice %arg2[%dma_wait3A_344, %dma_wait3A_345] : memref<1000000x64xf32, #tpu.memory_space<hbm>> -> memref<1000000x64xf32, #tpu.memory_space<hbm>>
      tpu.wait_indirect_dma semaphore(%arg9 : memref<!tpu.dma_semaphore, #tpu.memory_space<semaphore_mem>>) src(%dma_wait3A_346 : memref<1000000x64xf32, #tpu.memory_space<hbm>>) dst(%dma_wait3A_340 : memref<128x64xf32, #tpu.memory_space<vmem>>)
      %mul3A_347 = arith.constant 5 : i32
      %mul3A_348 = arith.muli %add3A_320, %mul3A_347 : i32
      %add3A_349 = arith.constant 2 : i32
      %add3A_350 = arith.addi %mul3A_348, %add3A_349 : i32
      %dma_wait3A_351 = arith.constant 256 : i32
      %dma_wait3A_352 = arith.constant 0 : i32
      %dma_wait3A_353 = tpu.memref_slice %arg7[%dma_wait3A_351, %dma_wait3A_352] : memref<640x64xf32, #tpu.memory_space<vmem>> -> memref<128x64xf32, #tpu.memory_space<vmem>>
      %dma_wait3A_354 = arith.constant 0 : i32
      %dma_wait3A_355 = tpu.memref_slice %arg5[%add3A_350, %dma_wait3A_354] : memref<50x128xi32, #tpu.memory_space<vmem>> -> memref<1x128xi32, #tpu.memory_space<vmem>>
      %dma_wait3A_356 = tpu.memref_squeeze %dma_wait3A_355 : memref<1x128xi32, #tpu.memory_space<vmem>> -> memref<128xi32, #tpu.memory_space<vmem>>
      %dma_wait3A_357 = arith.constant 0 : i32
      %dma_wait3A_358 = arith.constant 0 : i32
      %dma_wait3A_359 = tpu.memref_slice %arg2[%dma_wait3A_357, %dma_wait3A_358] : memref<1000000x64xf32, #tpu.memory_space<hbm>> -> memref<1000000x64xf32, #tpu.memory_space<hbm>>
      tpu.wait_indirect_dma semaphore(%arg9 : memref<!tpu.dma_semaphore, #tpu.memory_space<semaphore_mem>>) src(%dma_wait3A_359 : memref<1000000x64xf32, #tpu.memory_space<hbm>>) dst(%dma_wait3A_353 : memref<128x64xf32, #tpu.memory_space<vmem>>)
      %mul3A_360 = arith.constant 5 : i32
      %mul3A_361 = arith.muli %add3A_320, %mul3A_360 : i32
      %add3A_362 = arith.constant 3 : i32
      %add3A_363 = arith.addi %mul3A_361, %add3A_362 : i32
      %dma_wait3A_364 = arith.constant 384 : i32
      %dma_wait3A_365 = arith.constant 0 : i32
      %dma_wait3A_366 = tpu.memref_slice %arg7[%dma_wait3A_364, %dma_wait3A_365] : memref<640x64xf32, #tpu.memory_space<vmem>> -> memref<128x64xf32, #tpu.memory_space<vmem>>
      %dma_wait3A_367 = arith.constant 0 : i32
      %dma_wait3A_368 = tpu.memref_slice %arg5[%add3A_363, %dma_wait3A_367] : memref<50x128xi32, #tpu.memory_space<vmem>> -> memref<1x128xi32, #tpu.memory_space<vmem>>
      %dma_wait3A_369 = tpu.memref_squeeze %dma_wait3A_368 : memref<1x128xi32, #tpu.memory_space<vmem>> -> memref<128xi32, #tpu.memory_space<vmem>>
      %dma_wait3A_370 = arith.constant 0 : i32
      %dma_wait3A_371 = arith.constant 0 : i32
      %dma_wait3A_372 = tpu.memref_slice %arg2[%dma_wait3A_370, %dma_wait3A_371] : memref<1000000x64xf32, #tpu.memory_space<hbm>> -> memref<1000000x64xf32, #tpu.memory_space<hbm>>
      tpu.wait_indirect_dma semaphore(%arg9 : memref<!tpu.dma_semaphore, #tpu.memory_space<semaphore_mem>>) src(%dma_wait3A_372 : memref<1000000x64xf32, #tpu.memory_space<hbm>>) dst(%dma_wait3A_366 : memref<128x64xf32, #tpu.memory_space<vmem>>)
      %mul3A_373 = arith.constant 5 : i32
      %mul3A_374 = arith.muli %add3A_320, %mul3A_373 : i32
      %add3A_375 = arith.constant 4 : i32
      %add3A_376 = arith.addi %mul3A_374, %add3A_375 : i32
      %dma_wait3A_377 = arith.constant 512 : i32
      %dma_wait3A_378 = arith.constant 0 : i32
      %dma_wait3A_379 = tpu.memref_slice %arg7[%dma_wait3A_377, %dma_wait3A_378] : memref<640x64xf32, #tpu.memory_space<vmem>> -> memref<128x64xf32, #tpu.memory_space<vmem>>
      %dma_wait3A_380 = arith.constant 0 : i32
      %dma_wait3A_381 = tpu.memref_slice %arg5[%add3A_376, %dma_wait3A_380] : memref<50x128xi32, #tpu.memory_space<vmem>> -> memref<1x128xi32, #tpu.memory_space<vmem>>
      %dma_wait3A_382 = tpu.memref_squeeze %dma_wait3A_381 : memref<1x128xi32, #tpu.memory_space<vmem>> -> memref<128xi32, #tpu.memory_space<vmem>>
      %dma_wait3A_383 = arith.constant 0 : i32
      %dma_wait3A_384 = arith.constant 0 : i32
      %dma_wait3A_385 = tpu.memref_slice %arg2[%dma_wait3A_383, %dma_wait3A_384] : memref<1000000x64xf32, #tpu.memory_space<hbm>> -> memref<1000000x64xf32, #tpu.memory_space<hbm>>
      tpu.wait_indirect_dma semaphore(%arg9 : memref<!tpu.dma_semaphore, #tpu.memory_space<semaphore_mem>>) src(%dma_wait3A_385 : memref<1000000x64xf32, #tpu.memory_space<hbm>>) dst(%dma_wait3A_379 : memref<128x64xf32, #tpu.memory_space<vmem>>)
      %parallel_loop3A_386 = arith.constant 0 : i32
      %parallel_loop3A_387 = arith.constant 640 : i32
      %parallel_loop3A_388 = arith.constant 1 : i32
      scf.for %parallel_loop3A_553 = %parallel_loop3A_386 to %parallel_loop3A_387 step %parallel_loop3A_388  : i32 {
        %parallel_loop3A_554 = arith.index_cast %parallel_loop3A_553 : i32 to index
        %parallel_loop3A_555 = arith.constant 0 : index
        %parallel_loop3A_556 = tpu.vector_load %arg7[%parallel_loop3A_554, %parallel_loop3A_555] {strides = array<i32>} : memref<640x64xf32, #tpu.memory_space<vmem>>, vector<1x16xf32>,
        %parallel_loop3A_557 = vector.shape_cast %parallel_loop3A_556 : vector<1x16xf32> to vector<16xf32>
        %parallel_loop3A_558 = arith.constant 8.000000e+00 : f32
        %parallel_loop3A_559 = vector.broadcast %parallel_loop3A_558 : f32 to vector<16xf32>
        %parallel_loop3A_560 = arith.mulf %parallel_loop3A_557, %parallel_loop3A_559 : vector<16xf32>
        %parallel_loop3A_561 = arith.index_cast %parallel_loop3A_553 : i32 to index
        %parallel_loop3A_562 = arith.constant 0 : index
        %parallel_loop3A_563 = tpu.vector_load %arg7[%parallel_loop3A_561, %parallel_loop3A_562] {strides = array<i32>} : memref<640x64xf32, #tpu.memory_space<vmem>>, vector<1x16xf32>,
        %parallel_loop3A_564 = vector.shape_cast %parallel_loop3A_563 : vector<1x16xf32> to vector<16xf32>
        %parallel_loop3A_565 = vector.shape_cast %parallel_loop3A_560 : vector<16xf32> to vector<1x16xf32>
        tpu.vector_store %arg7[%parallel_loop3A_561, %parallel_loop3A_562], %parallel_loop3A_565 {strides = array<i32>} : memref<640x64xf32, #tpu.memory_space<vmem>>, vector<1x16xf32>,
        %parallel_loop3A_566 = arith.index_cast %parallel_loop3A_553 : i32 to index
        %parallel_loop3A_567 = arith.constant 16 : index
        %parallel_loop3A_568 = tpu.vector_load %arg7[%parallel_loop3A_566, %parallel_loop3A_567] {strides = array<i32>} : memref<640x64xf32, #tpu.memory_space<vmem>>, vector<1x16xf32>,
        %parallel_loop3A_569 = vector.shape_cast %parallel_loop3A_568 : vector<1x16xf32> to vector<16xf32>
        %parallel_loop3A_570 = arith.constant 8.000000e+00 : f32
        %parallel_loop3A_571 = vector.broadcast %parallel_loop3A_570 : f32 to vector<16xf32>
        %parallel_loop3A_572 = arith.mulf %parallel_loop3A_569, %parallel_loop3A_571 : vector<16xf32>
        %parallel_loop3A_573 = arith.index_cast %parallel_loop3A_553 : i32 to index
        %parallel_loop3A_574 = arith.constant 16 : index
        %parallel_loop3A_575 = tpu.vector_load %arg7[%parallel_loop3A_573, %parallel_loop3A_574] {strides = array<i32>} : memref<640x64xf32, #tpu.memory_space<vmem>>, vector<1x16xf32>,
        %parallel_loop3A_576 = vector.shape_cast %parallel_loop3A_575 : vector<1x16xf32> to vector<16xf32>
        %parallel_loop3A_577 = vector.shape_cast %parallel_loop3A_572 : vector<16xf32> to vector<1x16xf32>
        tpu.vector_store %arg7[%parallel_loop3A_573, %parallel_loop3A_574], %parallel_loop3A_577 {strides = array<i32>} : memref<640x64xf32, #tpu.memory_space<vmem>>, vector<1x16xf32>,
        %parallel_loop3A_578 = arith.index_cast %parallel_loop3A_553 : i32 to index
        %parallel_loop3A_579 = arith.constant 32 : index
        %parallel_loop3A_580 = tpu.vector_load %arg7[%parallel_loop3A_578, %parallel_loop3A_579] {strides = array<i32>} : memref<640x64xf32, #tpu.memory_space<vmem>>, vector<1x16xf32>,
        %parallel_loop3A_581 = vector.shape_cast %parallel_loop3A_580 : vector<1x16xf32> to vector<16xf32>
        %parallel_loop3A_582 = arith.constant 8.000000e+00 : f32
        %parallel_loop3A_583 = vector.broadcast %parallel_loop3A_582 : f32 to vector<16xf32>
        %parallel_loop3A_584 = arith.mulf %parallel_loop3A_581, %parallel_loop3A_583 : vector<16xf32>
        %parallel_loop3A_585 = arith.index_cast %parallel_loop3A_553 : i32 to index
        %parallel_loop3A_586 = arith.constant 32 : index
        %parallel_loop3A_587 = tpu.vector_load %arg7[%parallel_loop3A_585, %parallel_loop3A_586] {strides = array<i32>} : memref<640x64xf32, #tpu.memory_space<vmem>>, vector<1x16xf32>,
        %parallel_loop3A_588 = vector.shape_cast %parallel_loop3A_587 : vector<1x16xf32> to vector<16xf32>
        %parallel_loop3A_589 = vector.shape_cast %parallel_loop3A_584 : vector<16xf32> to vector<1x16xf32>
        tpu.vector_store %arg7[%parallel_loop3A_585, %parallel_loop3A_586], %parallel_loop3A_589 {strides = array<i32>} : memref<640x64xf32, #tpu.memory_space<vmem>>, vector<1x16xf32>,
        %parallel_loop3A_590 = arith.index_cast %parallel_loop3A_553 : i32 to index
        %parallel_loop3A_591 = arith.constant 48 : index
        %parallel_loop3A_592 = tpu.vector_load %arg7[%parallel_loop3A_590, %parallel_loop3A_591] {strides = array<i32>} : memref<640x64xf32, #tpu.memory_space<vmem>>, vector<1x16xf32>,
        %parallel_loop3A_593 = vector.shape_cast %parallel_loop3A_592 : vector<1x16xf32> to vector<16xf32>
        %parallel_loop3A_594 = arith.constant 8.000000e+00 : f32
        %parallel_loop3A_595 = vector.broadcast %parallel_loop3A_594 : f32 to vector<16xf32>
        %parallel_loop3A_596 = arith.mulf %parallel_loop3A_593, %parallel_loop3A_595 : vector<16xf32>
        %parallel_loop3A_597 = arith.index_cast %parallel_loop3A_553 : i32 to index
        %parallel_loop3A_598 = arith.constant 48 : index
        %parallel_loop3A_599 = tpu.vector_load %arg7[%parallel_loop3A_597, %parallel_loop3A_598] {strides = array<i32>} : memref<640x64xf32, #tpu.memory_space<vmem>>, vector<1x16xf32>,
        %parallel_loop3A_600 = vector.shape_cast %parallel_loop3A_599 : vector<1x16xf32> to vector<16xf32>
        %parallel_loop3A_601 = vector.shape_cast %parallel_loop3A_596 : vector<16xf32> to vector<1x16xf32>
        tpu.vector_store %arg7[%parallel_loop3A_597, %parallel_loop3A_598], %parallel_loop3A_601 {strides = array<i32>} : memref<640x64xf32, #tpu.memory_space<vmem>>, vector<1x16xf32>,
      } {sc.loop_unroll_factor = 8 : i64, sc.parallel_access}
      %mul3A_389 = arith.constant 640 : i32
      %mul3A_390 = arith.muli %add3A_320, %mul3A_389 : i32
      %add3A_391 = arith.addi %mul3A_2, %mul3A_390 : i32
      %dma_start3A_392 = arith.constant 0 : i32
      %dma_start3A_393 = tpu.memref_slice %arg4[%add3A_391, %dma_start3A_392] : memref<204800x64xf32, #tpu.memory_space<hbm>> -> memref<640x64xf32, #tpu.memory_space<hbm>>
      %dma_start3A_394 = arith.constant 0 : i32
      %dma_start3A_395 = tpu.memref_slice %arg4[%add3A_391, %dma_start3A_394] : memref<204800x64xf32, #tpu.memory_space<hbm>> -> memref<640x64xf32, #tpu.memory_space<hbm>>
      tpu.enqueue_dma source(%arg7 : memref<640x64xf32, #tpu.memory_space<vmem>>) target(%dma_start3A_395 : memref<640x64xf32, #tpu.memory_space<hbm>>) target_semaphore(%arg11 : memref<!tpu.dma_semaphore, #tpu.memory_space<semaphore_mem>>)
      %mul3A_396 = arith.constant 2 : i32
      %mul3A_397 = arith.muli %mul3A_396, %scan3A_236 : i32
      %add3A_398 = arith.constant 0 : i32
      %add3A_399 = arith.addi %mul3A_397, %add3A_398 : i32
      %mul3A_400 = arith.constant 640 : i32
      %mul3A_401 = arith.muli %add3A_399, %mul3A_400 : i32
      %add3A_402 = arith.addi %mul3A_2, %mul3A_401 : i32
      %dma_wait3A_403 = arith.constant 0 : i32
      %dma_wait3A_404 = tpu.memref_slice %arg4[%add3A_402, %dma_wait3A_403] : memref<204800x64xf32, #tpu.memory_space<hbm>> -> memref<640x64xf32, #tpu.memory_space<hbm>>
      %dma_wait3A_405 = arith.constant 0 : i32
      %dma_wait3A_406 = tpu.memref_slice %arg4[%add3A_402, %dma_wait3A_405] : memref<204800x64xf32, #tpu.memory_space<hbm>> -> memref<640x64xf32, #tpu.memory_space<hbm>>
      tpu.wait_dma2 semaphore(%arg10 : memref<!tpu.dma_semaphore, #tpu.memory_space<semaphore_mem>>) src(%arg6 : memref<640x64xf32, #tpu.memory_space<vmem>>) dst(%dma_wait3A_406 : memref<640x64xf32, #tpu.memory_space<hbm>>)
      %add3A_407 = arith.constant 2 : i32
      %add3A_408 = arith.addi %add3A_399, %add3A_407 : i32
      %mul3A_409 = arith.constant 5 : i32
      %mul3A_410 = arith.muli %add3A_408, %mul3A_409 : i32
      %add3A_411 = arith.constant 0 : i32
      %add3A_412 = arith.addi %mul3A_410, %add3A_411 : i32
      %dma_start3A_413 = arith.constant 0 : i32
      %dma_start3A_414 = arith.constant 0 : i32
      %dma_start3A_415 = tpu.memref_slice %arg6[%dma_start3A_413, %dma_start3A_414] : memref<640x64xf32, #tpu.memory_space<vmem>> -> memref<128x64xf32, #tpu.memory_space<vmem>>
      %dma_start3A_416 = arith.constant 0 : i32
      %dma_start3A_417 = tpu.memref_slice %arg5[%add3A_412, %dma_start3A_416] : memref<50x128xi32, #tpu.memory_space<vmem>> -> memref<1x128xi32, #tpu.memory_space<vmem>>
      %dma_start3A_418 = tpu.memref_squeeze %dma_start3A_417 : memref<1x128xi32, #tpu.memory_space<vmem>> -> memref<128xi32, #tpu.memory_space<vmem>>
      %dma_start3A_419 = arith.constant 0 : i32
      %dma_start3A_420 = arith.constant 0 : i32
      %dma_start3A_421 = tpu.memref_slice %arg2[%dma_start3A_419, %dma_start3A_420] : memref<1000000x64xf32, #tpu.memory_space<hbm>> -> memref<1000000x64xf32, #tpu.memory_space<hbm>>
      tpu.enqueue_indirect_dma source(%dma_start3A_421 : memref<1000000x64xf32, #tpu.memory_space<hbm>>) target(%dma_start3A_415 : memref<128x64xf32, #tpu.memory_space<vmem>>) offsets(%dma_start3A_418 : memref<128xi32, #tpu.memory_space<vmem>>) semaphore(%arg8 : memref<!tpu.dma_semaphore, #tpu.memory_space<semaphore_mem>>)
      %mul3A_422 = arith.constant 5 : i32
      %mul3A_423 = arith.muli %add3A_408, %mul3A_422 : i32
      %add3A_424 = arith.constant 1 : i32
      %add3A_425 = arith.addi %mul3A_423, %add3A_424 : i32
      %dma_start3A_426 = arith.constant 128 : i32
      %dma_start3A_427 = arith.constant 0 : i32
      %dma_start3A_428 = tpu.memref_slice %arg6[%dma_start3A_426, %dma_start3A_427] : memref<640x64xf32, #tpu.memory_space<vmem>> -> memref<128x64xf32, #tpu.memory_space<vmem>>
      %dma_start3A_429 = arith.constant 0 : i32
      %dma_start3A_430 = tpu.memref_slice %arg5[%add3A_425, %dma_start3A_429] : memref<50x128xi32, #tpu.memory_space<vmem>> -> memref<1x128xi32, #tpu.memory_space<vmem>>
      %dma_start3A_431 = tpu.memref_squeeze %dma_start3A_430 : memref<1x128xi32, #tpu.memory_space<vmem>> -> memref<128xi32, #tpu.memory_space<vmem>>
      %dma_start3A_432 = arith.constant 0 : i32
      %dma_start3A_433 = arith.constant 0 : i32
      %dma_start3A_434 = tpu.memref_slice %arg2[%dma_start3A_432, %dma_start3A_433] : memref<1000000x64xf32, #tpu.memory_space<hbm>> -> memref<1000000x64xf32, #tpu.memory_space<hbm>>
      tpu.enqueue_indirect_dma source(%dma_start3A_434 : memref<1000000x64xf32, #tpu.memory_space<hbm>>) target(%dma_start3A_428 : memref<128x64xf32, #tpu.memory_space<vmem>>) offsets(%dma_start3A_431 : memref<128xi32, #tpu.memory_space<vmem>>) semaphore(%arg8 : memref<!tpu.dma_semaphore, #tpu.memory_space<semaphore_mem>>)
      %mul3A_435 = arith.constant 5 : i32
      %mul3A_436 = arith.muli %add3A_408, %mul3A_435 : i32
      %add3A_437 = arith.constant 2 : i32
      %add3A_438 = arith.addi %mul3A_436, %add3A_437 : i32
      %dma_start3A_439 = arith.constant 256 : i32
      %dma_start3A_440 = arith.constant 0 : i32
      %dma_start3A_441 = tpu.memref_slice %arg6[%dma_start3A_439, %dma_start3A_440] : memref<640x64xf32, #tpu.memory_space<vmem>> -> memref<128x64xf32, #tpu.memory_space<vmem>>
      %dma_start3A_442 = arith.constant 0 : i32
      %dma_start3A_443 = tpu.memref_slice %arg5[%add3A_438, %dma_start3A_442] : memref<50x128xi32, #tpu.memory_space<vmem>> -> memref<1x128xi32, #tpu.memory_space<vmem>>
      %dma_start3A_444 = tpu.memref_squeeze %dma_start3A_443 : memref<1x128xi32, #tpu.memory_space<vmem>> -> memref<128xi32, #tpu.memory_space<vmem>>
      %dma_start3A_445 = arith.constant 0 : i32
      %dma_start3A_446 = arith.constant 0 : i32
      %dma_start3A_447 = tpu.memref_slice %arg2[%dma_start3A_445, %dma_start3A_446] : memref<1000000x64xf32, #tpu.memory_space<hbm>> -> memref<1000000x64xf32, #tpu.memory_space<hbm>>
      tpu.enqueue_indirect_dma source(%dma_start3A_447 : memref<1000000x64xf32, #tpu.memory_space<hbm>>) target(%dma_start3A_441 : memref<128x64xf32, #tpu.memory_space<vmem>>) offsets(%dma_start3A_444 : memref<128xi32, #tpu.memory_space<vmem>>) semaphore(%arg8 : memref<!tpu.dma_semaphore, #tpu.memory_space<semaphore_mem>>)
      %mul3A_448 = arith.constant 5 : i32
      %mul3A_449 = arith.muli %add3A_408, %mul3A_448 : i32
      %add3A_450 = arith.constant 3 : i32
      %add3A_451 = arith.addi %mul3A_449, %add3A_450 : i32
      %dma_start3A_452 = arith.constant 384 : i32
      %dma_start3A_453 = arith.constant 0 : i32
      %dma_start3A_454 = tpu.memref_slice %arg6[%dma_start3A_452, %dma_start3A_453] : memref<640x64xf32, #tpu.memory_space<vmem>> -> memref<128x64xf32, #tpu.memory_space<vmem>>
      %dma_start3A_455 = arith.constant 0 : i32
      %dma_start3A_456 = tpu.memref_slice %arg5[%add3A_451, %dma_start3A_455] : memref<50x128xi32, #tpu.memory_space<vmem>> -> memref<1x128xi32, #tpu.memory_space<vmem>>
      %dma_start3A_457 = tpu.memref_squeeze %dma_start3A_456 : memref<1x128xi32, #tpu.memory_space<vmem>> -> memref<128xi32, #tpu.memory_space<vmem>>
      %dma_start3A_458 = arith.constant 0 : i32
      %dma_start3A_459 = arith.constant 0 : i32
      %dma_start3A_460 = tpu.memref_slice %arg2[%dma_start3A_458, %dma_start3A_459] : memref<1000000x64xf32, #tpu.memory_space<hbm>> -> memref<1000000x64xf32, #tpu.memory_space<hbm>>
      tpu.enqueue_indirect_dma source(%dma_start3A_460 : memref<1000000x64xf32, #tpu.memory_space<hbm>>) target(%dma_start3A_454 : memref<128x64xf32, #tpu.memory_space<vmem>>) offsets(%dma_start3A_457 : memref<128xi32, #tpu.memory_space<vmem>>) semaphore(%arg8 : memref<!tpu.dma_semaphore, #tpu.memory_space<semaphore_mem>>)
      %mul3A_461 = arith.constant 5 : i32
      %mul3A_462 = arith.muli %add3A_408, %mul3A_461 : i32
      %add3A_463 = arith.constant 4 : i32
      %add3A_464 = arith.addi %mul3A_462, %add3A_463 : i32
      %dma_start3A_465 = arith.constant 512 : i32
      %dma_start3A_466 = arith.constant 0 : i32
      %dma_start3A_467 = tpu.memref_slice %arg6[%dma_start3A_465, %dma_start3A_466] : memref<640x64xf32, #tpu.memory_space<vmem>> -> memref<128x64xf32, #tpu.memory_space<vmem>>
      %dma_start3A_468 = arith.constant 0 : i32
      %dma_start3A_469 = tpu.memref_slice %arg5[%add3A_464, %dma_start3A_468] : memref<50x128xi32, #tpu.memory_space<vmem>> -> memref<1x128xi32, #tpu.memory_space<vmem>>
      %dma_start3A_470 = tpu.memref_squeeze %dma_start3A_469 : memref<1x128xi32, #tpu.memory_space<vmem>> -> memref<128xi32, #tpu.memory_space<vmem>>
      %dma_start3A_471 = arith.constant 0 : i32
      %dma_start3A_472 = arith.constant 0 : i32
      %dma_start3A_473 = tpu.memref_slice %arg2[%dma_start3A_471, %dma_start3A_472] : memref<1000000x64xf32, #tpu.memory_space<hbm>> -> memref<1000000x64xf32, #tpu.memory_space<hbm>>
      tpu.enqueue_indirect_dma source(%dma_start3A_473 : memref<1000000x64xf32, #tpu.memory_space<hbm>>) target(%dma_start3A_467 : memref<128x64xf32, #tpu.memory_space<vmem>>) offsets(%dma_start3A_470 : memref<128xi32, #tpu.memory_space<vmem>>) semaphore(%arg8 : memref<!tpu.dma_semaphore, #tpu.memory_space<semaphore_mem>>)
      %mul3A_474 = arith.constant 2 : i32
      %mul3A_475 = arith.muli %mul3A_474, %scan3A_236 : i32
      %add3A_476 = arith.constant 1 : i32
      %add3A_477 = arith.addi %mul3A_475, %add3A_476 : i32
      %mul3A_478 = arith.constant 640 : i32
      %mul3A_479 = arith.muli %add3A_477, %mul3A_478 : i32
      %add3A_480 = arith.addi %mul3A_2, %mul3A_479 : i32
      %dma_wait3A_481 = arith.constant 0 : i32
      %dma_wait3A_482 = tpu.memref_slice %arg4[%add3A_480, %dma_wait3A_481] : memref<204800x64xf32, #tpu.memory_space<hbm>> -> memref<640x64xf32, #tpu.memory_space<hbm>>
      %dma_wait3A_483 = arith.constant 0 : i32
      %dma_wait3A_484 = tpu.memref_slice %arg4[%add3A_480, %dma_wait3A_483] : memref<204800x64xf32, #tpu.memory_space<hbm>> -> memref<640x64xf32, #tpu.memory_space<hbm>>
      tpu.wait_dma2 semaphore(%arg11 : memref<!tpu.dma_semaphore, #tpu.memory_space<semaphore_mem>>) src(%arg7 : memref<640x64xf32, #tpu.memory_space<vmem>>) dst(%dma_wait3A_484 : memref<640x64xf32, #tpu.memory_space<hbm>>)
      %add3A_485 = arith.constant 2 : i32
      %add3A_486 = arith.addi %add3A_477, %add3A_485 : i32
      %mul3A_487 = arith.constant 5 : i32
      %mul3A_488 = arith.muli %add3A_486, %mul3A_487 : i32
      %add3A_489 = arith.constant 0 : i32
      %add3A_490 = arith.addi %mul3A_488, %add3A_489 : i32
      %dma_start3A_491 = arith.constant 0 : i32
      %dma_start3A_492 = arith.constant 0 : i32
      %dma_start3A_493 = tpu.memref_slice %arg7[%dma_start3A_491, %dma_start3A_492] : memref<640x64xf32, #tpu.memory_space<vmem>> -> memref<128x64xf32, #tpu.memory_space<vmem>>
      %dma_start3A_494 = arith.constant 0 : i32
      %dma_start3A_495 = tpu.memref_slice %arg5[%add3A_490, %dma_start3A_494] : memref<50x128xi32, #tpu.memory_space<vmem>> -> memref<1x128xi32, #tpu.memory_space<vmem>>
      %dma_start3A_496 = tpu.memref_squeeze %dma_start3A_495 : memref<1x128xi32, #tpu.memory_space<vmem>> -> memref<128xi32, #tpu.memory_space<vmem>>
      %dma_start3A_497 = arith.constant 0 : i32
      %dma_start3A_498 = arith.constant 0 : i32
      %dma_start3A_499 = tpu.memref_slice %arg2[%dma_start3A_497, %dma_start3A_498] : memref<1000000x64xf32, #tpu.memory_space<hbm>> -> memref<1000000x64xf32, #tpu.memory_space<hbm>>
      tpu.enqueue_indirect_dma source(%dma_start3A_499 : memref<1000000x64xf32, #tpu.memory_space<hbm>>) target(%dma_start3A_493 : memref<128x64xf32, #tpu.memory_space<vmem>>) offsets(%dma_start3A_496 : memref<128xi32, #tpu.memory_space<vmem>>) semaphore(%arg9 : memref<!tpu.dma_semaphore, #tpu.memory_space<semaphore_mem>>)
      %mul3A_500 = arith.constant 5 : i32
      %mul3A_501 = arith.muli %add3A_486, %mul3A_500 : i32
      %add3A_502 = arith.constant 1 : i32
      %add3A_503 = arith.addi %mul3A_501, %add3A_502 : i32
      %dma_start3A_504 = arith.constant 128 : i32
      %dma_start3A_505 = arith.constant 0 : i32
      %dma_start3A_506 = tpu.memref_slice %arg7[%dma_start3A_504, %dma_start3A_505] : memref<640x64xf32, #tpu.memory_space<vmem>> -> memref<128x64xf32, #tpu.memory_space<vmem>>
      %dma_start3A_507 = arith.constant 0 : i32
      %dma_start3A_508 = tpu.memref_slice %arg5[%add3A_503, %dma_start3A_507] : memref<50x128xi32, #tpu.memory_space<vmem>> -> memref<1x128xi32, #tpu.memory_space<vmem>>
      %dma_start3A_509 = tpu.memref_squeeze %dma_start3A_508 : memref<1x128xi32, #tpu.memory_space<vmem>> -> memref<128xi32, #tpu.memory_space<vmem>>
      %dma_start3A_510 = arith.constant 0 : i32
      %dma_start3A_511 = arith.constant 0 : i32
      %dma_start3A_512 = tpu.memref_slice %arg2[%dma_start3A_510, %dma_start3A_511] : memref<1000000x64xf32, #tpu.memory_space<hbm>> -> memref<1000000x64xf32, #tpu.memory_space<hbm>>
      tpu.enqueue_indirect_dma source(%dma_start3A_512 : memref<1000000x64xf32, #tpu.memory_space<hbm>>) target(%dma_start3A_506 : memref<128x64xf32, #tpu.memory_space<vmem>>) offsets(%dma_start3A_509 : memref<128xi32, #tpu.memory_space<vmem>>) semaphore(%arg9 : memref<!tpu.dma_semaphore, #tpu.memory_space<semaphore_mem>>)
      %mul3A_513 = arith.constant 5 : i32
      %mul3A_514 = arith.muli %add3A_486, %mul3A_513 : i32
      %add3A_515 = arith.constant 2 : i32
      %add3A_516 = arith.addi %mul3A_514, %add3A_515 : i32
      %dma_start3A_517 = arith.constant 256 : i32
      %dma_start3A_518 = arith.constant 0 : i32
      %dma_start3A_519 = tpu.memref_slice %arg7[%dma_start3A_517, %dma_start3A_518] : memref<640x64xf32, #tpu.memory_space<vmem>> -> memref<128x64xf32, #tpu.memory_space<vmem>>
      %dma_start3A_520 = arith.constant 0 : i32
      %dma_start3A_521 = tpu.memref_slice %arg5[%add3A_516, %dma_start3A_520] : memref<50x128xi32, #tpu.memory_space<vmem>> -> memref<1x128xi32, #tpu.memory_space<vmem>>
      %dma_start3A_522 = tpu.memref_squeeze %dma_start3A_521 : memref<1x128xi32, #tpu.memory_space<vmem>> -> memref<128xi32, #tpu.memory_space<vmem>>
      %dma_start3A_523 = arith.constant 0 : i32
      %dma_start3A_524 = arith.constant 0 : i32
      %dma_start3A_525 = tpu.memref_slice %arg2[%dma_start3A_523, %dma_start3A_524] : memref<1000000x64xf32, #tpu.memory_space<hbm>> -> memref<1000000x64xf32, #tpu.memory_space<hbm>>
      tpu.enqueue_indirect_dma source(%dma_start3A_525 : memref<1000000x64xf32, #tpu.memory_space<hbm>>) target(%dma_start3A_519 : memref<128x64xf32, #tpu.memory_space<vmem>>) offsets(%dma_start3A_522 : memref<128xi32, #tpu.memory_space<vmem>>) semaphore(%arg9 : memref<!tpu.dma_semaphore, #tpu.memory_space<semaphore_mem>>)
      %mul3A_526 = arith.constant 5 : i32
      %mul3A_527 = arith.muli %add3A_486, %mul3A_526 : i32
      %add3A_528 = arith.constant 3 : i32
      %add3A_529 = arith.addi %mul3A_527, %add3A_528 : i32
      %dma_start3A_530 = arith.constant 384 : i32
      %dma_start3A_531 = arith.constant 0 : i32
      %dma_start3A_532 = tpu.memref_slice %arg7[%dma_start3A_530, %dma_start3A_531] : memref<640x64xf32, #tpu.memory_space<vmem>> -> memref<128x64xf32, #tpu.memory_space<vmem>>
      %dma_start3A_533 = arith.constant 0 : i32
      %dma_start3A_534 = tpu.memref_slice %arg5[%add3A_529, %dma_start3A_533] : memref<50x128xi32, #tpu.memory_space<vmem>> -> memref<1x128xi32, #tpu.memory_space<vmem>>
      %dma_start3A_535 = tpu.memref_squeeze %dma_start3A_534 : memref<1x128xi32, #tpu.memory_space<vmem>> -> memref<128xi32, #tpu.memory_space<vmem>>
      %dma_start3A_536 = arith.constant 0 : i32
      %dma_start3A_537 = arith.constant 0 : i32
      %dma_start3A_538 = tpu.memref_slice %arg2[%dma_start3A_536, %dma_start3A_537] : memref<1000000x64xf32, #tpu.memory_space<hbm>> -> memref<1000000x64xf32, #tpu.memory_space<hbm>>
      tpu.enqueue_indirect_dma source(%dma_start3A_538 : memref<1000000x64xf32, #tpu.memory_space<hbm>>) target(%dma_start3A_532 : memref<128x64xf32, #tpu.memory_space<vmem>>) offsets(%dma_start3A_535 : memref<128xi32, #tpu.memory_space<vmem>>) semaphore(%arg9 : memref<!tpu.dma_semaphore, #tpu.memory_space<semaphore_mem>>)
      %mul3A_539 = arith.constant 5 : i32
      %mul3A_540 = arith.muli %add3A_486, %mul3A_539 : i32
      %add3A_541 = arith.constant 4 : i32
      %add3A_542 = arith.addi %mul3A_540, %add3A_541 : i32
      %dma_start3A_543 = arith.constant 512 : i32
      %dma_start3A_544 = arith.constant 0 : i32
      %dma_start3A_545 = tpu.memref_slice %arg7[%dma_start3A_543, %dma_start3A_544] : memref<640x64xf32, #tpu.memory_space<vmem>> -> memref<128x64xf32, #tpu.memory_space<vmem>>
      %dma_start3A_546 = arith.constant 0 : i32
      %dma_start3A_547 = tpu.memref_slice %arg5[%add3A_542, %dma_start3A_546] : memref<50x128xi32, #tpu.memory_space<vmem>> -> memref<1x128xi32, #tpu.memory_space<vmem>>
      %dma_start3A_548 = tpu.memref_squeeze %dma_start3A_547 : memref<1x128xi32, #tpu.memory_space<vmem>> -> memref<128xi32, #tpu.memory_space<vmem>>
      %dma_start3A_549 = arith.constant 0 : i32
      %dma_start3A_550 = arith.constant 0 : i32
      %dma_start3A_551 = tpu.memref_slice %arg2[%dma_start3A_549, %dma_start3A_550] : memref<1000000x64xf32, #tpu.memory_space<hbm>> -> memref<1000000x64xf32, #tpu.memory_space<hbm>>
      tpu.enqueue_indirect_dma source(%dma_start3A_551 : memref<1000000x64xf32, #tpu.memory_space<hbm>>) target(%dma_start3A_545 : memref<128x64xf32, #tpu.memory_space<vmem>>) offsets(%dma_start3A_548 : memref<128xi32, #tpu.memory_space<vmem>>) semaphore(%arg9 : memref<!tpu.dma_semaphore, #tpu.memory_space<semaphore_mem>>)
      %scan3A_552 = arith.constant 0 : i32
      scf.yield %scan3A_552 : i32
    }
    %scan3A_107 = arith.constant 4 : i32
    %dma_wait3A = arith.constant 40 : i32
    %dma_wait3A_108 = arith.constant 0 : i32
    %dma_wait3A_109 = arith.constant 0 : i32
    %dma_wait3A_110 = tpu.memref_slice %arg6[%dma_wait3A_108, %dma_wait3A_109] : memref<640x64xf32, #tpu.memory_space<vmem>> -> memref<128x64xf32, #tpu.memory_space<vmem>>
    %dma_wait3A_111 = arith.constant 0 : i32
    %dma_wait3A_112 = tpu.memref_slice %arg5[%dma_wait3A, %dma_wait3A_111] : memref<50x128xi32, #tpu.memory_space<vmem>> -> memref<1x128xi32, #tpu.memory_space<vmem>>
    %dma_wait3A_113 = tpu.memref_squeeze %dma_wait3A_112 : memref<1x128xi32, #tpu.memory_space<vmem>> -> memref<128xi32, #tpu.memory_space<vmem>>
    %dma_wait3A_114 = arith.constant 0 : i32
    %dma_wait3A_115 = arith.constant 0 : i32
    %dma_wait3A_116 = tpu.memref_slice %arg2[%dma_wait3A_114, %dma_wait3A_115] : memref<1000000x64xf32, #tpu.memory_space<hbm>> -> memref<1000000x64xf32, #tpu.memory_space<hbm>>
    tpu.wait_indirect_dma semaphore(%arg8 : memref<!tpu.dma_semaphore, #tpu.memory_space<semaphore_mem>>) src(%dma_wait3A_116 : memref<1000000x64xf32, #tpu.memory_space<hbm>>) dst(%dma_wait3A_110 : memref<128x64xf32, #tpu.memory_space<vmem>>)
    %dma_wait3A_117 = arith.constant 41 : i32
    %dma_wait3A_118 = arith.constant 128 : i32
    %dma_wait3A_119 = arith.constant 0 : i32
    %dma_wait3A_120 = tpu.memref_slice %arg6[%dma_wait3A_118, %dma_wait3A_119] : memref<640x64xf32, #tpu.memory_space<vmem>> -> memref<128x64xf32, #tpu.memory_space<vmem>>
    %dma_wait3A_121 = arith.constant 0 : i32
    %dma_wait3A_122 = tpu.memref_slice %arg5[%dma_wait3A_117, %dma_wait3A_121] : memref<50x128xi32, #tpu.memory_space<vmem>> -> memref<1x128xi32, #tpu.memory_space<vmem>>
    %dma_wait3A_123 = tpu.memref_squeeze %dma_wait3A_122 : memref<1x128xi32, #tpu.memory_space<vmem>> -> memref<128xi32, #tpu.memory_space<vmem>>
    %dma_wait3A_124 = arith.constant 0 : i32
    %dma_wait3A_125 = arith.constant 0 : i32
    %dma_wait3A_126 = tpu.memref_slice %arg2[%dma_wait3A_124, %dma_wait3A_125] : memref<1000000x64xf32, #tpu.memory_space<hbm>> -> memref<1000000x64xf32, #tpu.memory_space<hbm>>
    tpu.wait_indirect_dma semaphore(%arg8 : memref<!tpu.dma_semaphore, #tpu.memory_space<semaphore_mem>>) src(%dma_wait3A_126 : memref<1000000x64xf32, #tpu.memory_space<hbm>>) dst(%dma_wait3A_120 : memref<128x64xf32, #tpu.memory_space<vmem>>)
    %dma_wait3A_127 = arith.constant 42 : i32
    %dma_wait3A_128 = arith.constant 256 : i32
    %dma_wait3A_129 = arith.constant 0 : i32
    %dma_wait3A_130 = tpu.memref_slice %arg6[%dma_wait3A_128, %dma_wait3A_129] : memref<640x64xf32, #tpu.memory_space<vmem>> -> memref<128x64xf32, #tpu.memory_space<vmem>>
    %dma_wait3A_131 = arith.constant 0 : i32
    %dma_wait3A_132 = tpu.memref_slice %arg5[%dma_wait3A_127, %dma_wait3A_131] : memref<50x128xi32, #tpu.memory_space<vmem>> -> memref<1x128xi32, #tpu.memory_space<vmem>>
    %dma_wait3A_133 = tpu.memref_squeeze %dma_wait3A_132 : memref<1x128xi32, #tpu.memory_space<vmem>> -> memref<128xi32, #tpu.memory_space<vmem>>
    %dma_wait3A_134 = arith.constant 0 : i32
    %dma_wait3A_135 = arith.constant 0 : i32
    %dma_wait3A_136 = tpu.memref_slice %arg2[%dma_wait3A_134, %dma_wait3A_135] : memref<1000000x64xf32, #tpu.memory_space<hbm>> -> memref<1000000x64xf32, #tpu.memory_space<hbm>>
    tpu.wait_indirect_dma semaphore(%arg8 : memref<!tpu.dma_semaphore, #tpu.memory_space<semaphore_mem>>) src(%dma_wait3A_136 : memref<1000000x64xf32, #tpu.memory_space<hbm>>) dst(%dma_wait3A_130 : memref<128x64xf32, #tpu.memory_space<vmem>>)
    %dma_wait3A_137 = arith.constant 43 : i32
    %dma_wait3A_138 = arith.constant 384 : i32
    %dma_wait3A_139 = arith.constant 0 : i32
    %dma_wait3A_140 = tpu.memref_slice %arg6[%dma_wait3A_138, %dma_wait3A_139] : memref<640x64xf32, #tpu.memory_space<vmem>> -> memref<128x64xf32, #tpu.memory_space<vmem>>
    %dma_wait3A_141 = arith.constant 0 : i32
    %dma_wait3A_142 = tpu.memref_slice %arg5[%dma_wait3A_137, %dma_wait3A_141] : memref<50x128xi32, #tpu.memory_space<vmem>> -> memref<1x128xi32, #tpu.memory_space<vmem>>
    %dma_wait3A_143 = tpu.memref_squeeze %dma_wait3A_142 : memref<1x128xi32, #tpu.memory_space<vmem>> -> memref<128xi32, #tpu.memory_space<vmem>>
    %dma_wait3A_144 = arith.constant 0 : i32
    %dma_wait3A_145 = arith.constant 0 : i32
    %dma_wait3A_146 = tpu.memref_slice %arg2[%dma_wait3A_144, %dma_wait3A_145] : memref<1000000x64xf32, #tpu.memory_space<hbm>> -> memref<1000000x64xf32, #tpu.memory_space<hbm>>
    tpu.wait_indirect_dma semaphore(%arg8 : memref<!tpu.dma_semaphore, #tpu.memory_space<semaphore_mem>>) src(%dma_wait3A_146 : memref<1000000x64xf32, #tpu.memory_space<hbm>>) dst(%dma_wait3A_140 : memref<128x64xf32, #tpu.memory_space<vmem>>)
    %dma_wait3A_147 = arith.constant 44 : i32
    %dma_wait3A_148 = arith.constant 512 : i32
    %dma_wait3A_149 = arith.constant 0 : i32
    %dma_wait3A_150 = tpu.memref_slice %arg6[%dma_wait3A_148, %dma_wait3A_149] : memref<640x64xf32, #tpu.memory_space<vmem>> -> memref<128x64xf32, #tpu.memory_space<vmem>>
    %dma_wait3A_151 = arith.constant 0 : i32
    %dma_wait3A_152 = tpu.memref_slice %arg5[%dma_wait3A_147, %dma_wait3A_151] : memref<50x128xi32, #tpu.memory_space<vmem>> -> memref<1x128xi32, #tpu.memory_space<vmem>>
    %dma_wait3A_153 = tpu.memref_squeeze %dma_wait3A_152 : memref<1x128xi32, #tpu.memory_space<vmem>> -> memref<128xi32, #tpu.memory_space<vmem>>
    %dma_wait3A_154 = arith.constant 0 : i32
    %dma_wait3A_155 = arith.constant 0 : i32
    %dma_wait3A_156 = tpu.memref_slice %arg2[%dma_wait3A_154, %dma_wait3A_155] : memref<1000000x64xf32, #tpu.memory_space<hbm>> -> memref<1000000x64xf32, #tpu.memory_space<hbm>>
    tpu.wait_indirect_dma semaphore(%arg8 : memref<!tpu.dma_semaphore, #tpu.memory_space<semaphore_mem>>) src(%dma_wait3A_156 : memref<1000000x64xf32, #tpu.memory_space<hbm>>) dst(%dma_wait3A_150 : memref<128x64xf32, #tpu.memory_space<vmem>>)
    %parallel_loop3A = arith.constant 0 : i32
    %parallel_loop3A_157 = arith.constant 640 : i32
    %parallel_loop3A_158 = arith.constant 1 : i32
    scf.for %parallel_loop3A_236 = %parallel_loop3A to %parallel_loop3A_157 step %parallel_loop3A_158  : i32 {
      %parallel_loop3A_237 = arith.index_cast %parallel_loop3A_236 : i32 to index
      %parallel_loop3A_238 = arith.constant 0 : index
      %parallel_loop3A_239 = tpu.vector_load %arg6[%parallel_loop3A_237, %parallel_loop3A_238] {strides = array<i32>} : memref<640x64xf32, #tpu.memory_space<vmem>>, vector<1x16xf32>,
      %parallel_loop3A_240 = vector.shape_cast %parallel_loop3A_239 : vector<1x16xf32> to vector<16xf32>
      %parallel_loop3A_241 = arith.constant 8.000000e+00 : f32
      %parallel_loop3A_242 = vector.broadcast %parallel_loop3A_241 : f32 to vector<16xf32>
      %parallel_loop3A_243 = arith.mulf %parallel_loop3A_240, %parallel_loop3A_242 : vector<16xf32>
      %parallel_loop3A_244 = arith.index_cast %parallel_loop3A_236 : i32 to index
      %parallel_loop3A_245 = arith.constant 0 : index
      %parallel_loop3A_246 = tpu.vector_load %arg6[%parallel_loop3A_244, %parallel_loop3A_245] {strides = array<i32>} : memref<640x64xf32, #tpu.memory_space<vmem>>, vector<1x16xf32>,
      %parallel_loop3A_247 = vector.shape_cast %parallel_loop3A_246 : vector<1x16xf32> to vector<16xf32>
      %parallel_loop3A_248 = vector.shape_cast %parallel_loop3A_243 : vector<16xf32> to vector<1x16xf32>
      tpu.vector_store %arg6[%parallel_loop3A_244, %parallel_loop3A_245], %parallel_loop3A_248 {strides = array<i32>} : memref<640x64xf32, #tpu.memory_space<vmem>>, vector<1x16xf32>,
      %parallel_loop3A_249 = arith.index_cast %parallel_loop3A_236 : i32 to index
      %parallel_loop3A_250 = arith.constant 16 : index
      %parallel_loop3A_251 = tpu.vector_load %arg6[%parallel_loop3A_249, %parallel_loop3A_250] {strides = array<i32>} : memref<640x64xf32, #tpu.memory_space<vmem>>, vector<1x16xf32>,
      %parallel_loop3A_252 = vector.shape_cast %parallel_loop3A_251 : vector<1x16xf32> to vector<16xf32>
      %parallel_loop3A_253 = arith.constant 8.000000e+00 : f32
      %parallel_loop3A_254 = vector.broadcast %parallel_loop3A_253 : f32 to vector<16xf32>
      %parallel_loop3A_255 = arith.mulf %parallel_loop3A_252, %parallel_loop3A_254 : vector<16xf32>
      %parallel_loop3A_256 = arith.index_cast %parallel_loop3A_236 : i32 to index
      %parallel_loop3A_257 = arith.constant 16 : index
      %parallel_loop3A_258 = tpu.vector_load %arg6[%parallel_loop3A_256, %parallel_loop3A_257] {strides = array<i32>} : memref<640x64xf32, #tpu.memory_space<vmem>>, vector<1x16xf32>,
      %parallel_loop3A_259 = vector.shape_cast %parallel_loop3A_258 : vector<1x16xf32> to vector<16xf32>
      %parallel_loop3A_260 = vector.shape_cast %parallel_loop3A_255 : vector<16xf32> to vector<1x16xf32>
      tpu.vector_store %arg6[%parallel_loop3A_256, %parallel_loop3A_257], %parallel_loop3A_260 {strides = array<i32>} : memref<640x64xf32, #tpu.memory_space<vmem>>, vector<1x16xf32>,
      %parallel_loop3A_261 = arith.index_cast %parallel_loop3A_236 : i32 to index
      %parallel_loop3A_262 = arith.constant 32 : index
      %parallel_loop3A_263 = tpu.vector_load %arg6[%parallel_loop3A_261, %parallel_loop3A_262] {strides = array<i32>} : memref<640x64xf32, #tpu.memory_space<vmem>>, vector<1x16xf32>,
      %parallel_loop3A_264 = vector.shape_cast %parallel_loop3A_263 : vector<1x16xf32> to vector<16xf32>
      %parallel_loop3A_265 = arith.constant 8.000000e+00 : f32
      %parallel_loop3A_266 = vector.broadcast %parallel_loop3A_265 : f32 to vector<16xf32>
      %parallel_loop3A_267 = arith.mulf %parallel_loop3A_264, %parallel_loop3A_266 : vector<16xf32>
      %parallel_loop3A_268 = arith.index_cast %parallel_loop3A_236 : i32 to index
      %parallel_loop3A_269 = arith.constant 32 : index
      %parallel_loop3A_270 = tpu.vector_load %arg6[%parallel_loop3A_268, %parallel_loop3A_269] {strides = array<i32>} : memref<640x64xf32, #tpu.memory_space<vmem>>, vector<1x16xf32>,
      %parallel_loop3A_271 = vector.shape_cast %parallel_loop3A_270 : vector<1x16xf32> to vector<16xf32>
      %parallel_loop3A_272 = vector.shape_cast %parallel_loop3A_267 : vector<16xf32> to vector<1x16xf32>
      tpu.vector_store %arg6[%parallel_loop3A_268, %parallel_loop3A_269], %parallel_loop3A_272 {strides = array<i32>} : memref<640x64xf32, #tpu.memory_space<vmem>>, vector<1x16xf32>,
      %parallel_loop3A_273 = arith.index_cast %parallel_loop3A_236 : i32 to index
      %parallel_loop3A_274 = arith.constant 48 : index
      %parallel_loop3A_275 = tpu.vector_load %arg6[%parallel_loop3A_273, %parallel_loop3A_274] {strides = array<i32>} : memref<640x64xf32, #tpu.memory_space<vmem>>, vector<1x16xf32>,
      %parallel_loop3A_276 = vector.shape_cast %parallel_loop3A_275 : vector<1x16xf32> to vector<16xf32>
      %parallel_loop3A_277 = arith.constant 8.000000e+00 : f32
      %parallel_loop3A_278 = vector.broadcast %parallel_loop3A_277 : f32 to vector<16xf32>
      %parallel_loop3A_279 = arith.mulf %parallel_loop3A_276, %parallel_loop3A_278 : vector<16xf32>
      %parallel_loop3A_280 = arith.index_cast %parallel_loop3A_236 : i32 to index
      %parallel_loop3A_281 = arith.constant 48 : index
      %parallel_loop3A_282 = tpu.vector_load %arg6[%parallel_loop3A_280, %parallel_loop3A_281] {strides = array<i32>} : memref<640x64xf32, #tpu.memory_space<vmem>>, vector<1x16xf32>,
      %parallel_loop3A_283 = vector.shape_cast %parallel_loop3A_282 : vector<1x16xf32> to vector<16xf32>
      %parallel_loop3A_284 = vector.shape_cast %parallel_loop3A_279 : vector<16xf32> to vector<1x16xf32>
      tpu.vector_store %arg6[%parallel_loop3A_280, %parallel_loop3A_281], %parallel_loop3A_284 {strides = array<i32>} : memref<640x64xf32, #tpu.memory_space<vmem>>, vector<1x16xf32>,
    } {sc.loop_unroll_factor = 8 : i64, sc.parallel_access}
    %add3A_159 = arith.constant 5120 : i32
    %add3A_160 = arith.addi %mul3A_2, %add3A_159 : i32
    %dma_start3A_161 = arith.constant 0 : i32
    %dma_start3A_162 = tpu.memref_slice %arg4[%add3A_160, %dma_start3A_161] : memref<204800x64xf32, #tpu.memory_space<hbm>> -> memref<640x64xf32, #tpu.memory_space<hbm>>
    %dma_start3A_163 = arith.constant 0 : i32
    %dma_start3A_164 = tpu.memref_slice %arg4[%add3A_160, %dma_start3A_163] : memref<204800x64xf32, #tpu.memory_space<hbm>> -> memref<640x64xf32, #tpu.memory_space<hbm>>
    tpu.enqueue_dma source(%arg6 : memref<640x64xf32, #tpu.memory_space<vmem>>) target(%dma_start3A_164 : memref<640x64xf32, #tpu.memory_space<hbm>>) target_semaphore(%arg10 : memref<!tpu.dma_semaphore, #tpu.memory_space<semaphore_mem>>)
    %dma_wait3A_165 = arith.constant 45 : i32
    %dma_wait3A_166 = arith.constant 0 : i32
    %dma_wait3A_167 = arith.constant 0 : i32
    %dma_wait3A_168 = tpu.memref_slice %arg7[%dma_wait3A_166, %dma_wait3A_167] : memref<640x64xf32, #tpu.memory_space<vmem>> -> memref<128x64xf32, #tpu.memory_space<vmem>>
    %dma_wait3A_169 = arith.constant 0 : i32
    %dma_wait3A_170 = tpu.memref_slice %arg5[%dma_wait3A_165, %dma_wait3A_169] : memref<50x128xi32, #tpu.memory_space<vmem>> -> memref<1x128xi32, #tpu.memory_space<vmem>>
    %dma_wait3A_171 = tpu.memref_squeeze %dma_wait3A_170 : memref<1x128xi32, #tpu.memory_space<vmem>> -> memref<128xi32, #tpu.memory_space<vmem>>
    %dma_wait3A_172 = arith.constant 0 : i32
    %dma_wait3A_173 = arith.constant 0 : i32
    %dma_wait3A_174 = tpu.memref_slice %arg2[%dma_wait3A_172, %dma_wait3A_173] : memref<1000000x64xf32, #tpu.memory_space<hbm>> -> memref<1000000x64xf32, #tpu.memory_space<hbm>>
    tpu.wait_indirect_dma semaphore(%arg9 : memref<!tpu.dma_semaphore, #tpu.memory_space<semaphore_mem>>) src(%dma_wait3A_174 : memref<1000000x64xf32, #tpu.memory_space<hbm>>) dst(%dma_wait3A_168 : memref<128x64xf32, #tpu.memory_space<vmem>>)
    %dma_wait3A_175 = arith.constant 46 : i32
    %dma_wait3A_176 = arith.constant 128 : i32
    %dma_wait3A_177 = arith.constant 0 : i32
    %dma_wait3A_178 = tpu.memref_slice %arg7[%dma_wait3A_176, %dma_wait3A_177] : memref<640x64xf32, #tpu.memory_space<vmem>> -> memref<128x64xf32, #tpu.memory_space<vmem>>
    %dma_wait3A_179 = arith.constant 0 : i32
    %dma_wait3A_180 = tpu.memref_slice %arg5[%dma_wait3A_175, %dma_wait3A_179] : memref<50x128xi32, #tpu.memory_space<vmem>> -> memref<1x128xi32, #tpu.memory_space<vmem>>
    %dma_wait3A_181 = tpu.memref_squeeze %dma_wait3A_180 : memref<1x128xi32, #tpu.memory_space<vmem>> -> memref<128xi32, #tpu.memory_space<vmem>>
    %dma_wait3A_182 = arith.constant 0 : i32
    %dma_wait3A_183 = arith.constant 0 : i32
    %dma_wait3A_184 = tpu.memref_slice %arg2[%dma_wait3A_182, %dma_wait3A_183] : memref<1000000x64xf32, #tpu.memory_space<hbm>> -> memref<1000000x64xf32, #tpu.memory_space<hbm>>
    tpu.wait_indirect_dma semaphore(%arg9 : memref<!tpu.dma_semaphore, #tpu.memory_space<semaphore_mem>>) src(%dma_wait3A_184 : memref<1000000x64xf32, #tpu.memory_space<hbm>>) dst(%dma_wait3A_178 : memref<128x64xf32, #tpu.memory_space<vmem>>)
    %dma_wait3A_185 = arith.constant 47 : i32
    %dma_wait3A_186 = arith.constant 256 : i32
    %dma_wait3A_187 = arith.constant 0 : i32
    %dma_wait3A_188 = tpu.memref_slice %arg7[%dma_wait3A_186, %dma_wait3A_187] : memref<640x64xf32, #tpu.memory_space<vmem>> -> memref<128x64xf32, #tpu.memory_space<vmem>>
    %dma_wait3A_189 = arith.constant 0 : i32
    %dma_wait3A_190 = tpu.memref_slice %arg5[%dma_wait3A_185, %dma_wait3A_189] : memref<50x128xi32, #tpu.memory_space<vmem>> -> memref<1x128xi32, #tpu.memory_space<vmem>>
    %dma_wait3A_191 = tpu.memref_squeeze %dma_wait3A_190 : memref<1x128xi32, #tpu.memory_space<vmem>> -> memref<128xi32, #tpu.memory_space<vmem>>
    %dma_wait3A_192 = arith.constant 0 : i32
    %dma_wait3A_193 = arith.constant 0 : i32
    %dma_wait3A_194 = tpu.memref_slice %arg2[%dma_wait3A_192, %dma_wait3A_193] : memref<1000000x64xf32, #tpu.memory_space<hbm>> -> memref<1000000x64xf32, #tpu.memory_space<hbm>>
    tpu.wait_indirect_dma semaphore(%arg9 : memref<!tpu.dma_semaphore, #tpu.memory_space<semaphore_mem>>) src(%dma_wait3A_194 : memref<1000000x64xf32, #tpu.memory_space<hbm>>) dst(%dma_wait3A_188 : memref<128x64xf32, #tpu.memory_space<vmem>>)
    %dma_wait3A_195 = arith.constant 48 : i32
    %dma_wait3A_196 = arith.constant 384 : i32
    %dma_wait3A_197 = arith.constant 0 : i32
    %dma_wait3A_198 = tpu.memref_slice %arg7[%dma_wait3A_196, %dma_wait3A_197] : memref<640x64xf32, #tpu.memory_space<vmem>> -> memref<128x64xf32, #tpu.memory_space<vmem>>
    %dma_wait3A_199 = arith.constant 0 : i32
    %dma_wait3A_200 = tpu.memref_slice %arg5[%dma_wait3A_195, %dma_wait3A_199] : memref<50x128xi32, #tpu.memory_space<vmem>> -> memref<1x128xi32, #tpu.memory_space<vmem>>
    %dma_wait3A_201 = tpu.memref_squeeze %dma_wait3A_200 : memref<1x128xi32, #tpu.memory_space<vmem>> -> memref<128xi32, #tpu.memory_space<vmem>>
    %dma_wait3A_202 = arith.constant 0 : i32
    %dma_wait3A_203 = arith.constant 0 : i32
    %dma_wait3A_204 = tpu.memref_slice %arg2[%dma_wait3A_202, %dma_wait3A_203] : memref<1000000x64xf32, #tpu.memory_space<hbm>> -> memref<1000000x64xf32, #tpu.memory_space<hbm>>
    tpu.wait_indirect_dma semaphore(%arg9 : memref<!tpu.dma_semaphore, #tpu.memory_space<semaphore_mem>>) src(%dma_wait3A_204 : memref<1000000x64xf32, #tpu.memory_space<hbm>>) dst(%dma_wait3A_198 : memref<128x64xf32, #tpu.memory_space<vmem>>)
    %dma_wait3A_205 = arith.constant 49 : i32
    %dma_wait3A_206 = arith.constant 512 : i32
    %dma_wait3A_207 = arith.constant 0 : i32
    %dma_wait3A_208 = tpu.memref_slice %arg7[%dma_wait3A_206, %dma_wait3A_207] : memref<640x64xf32, #tpu.memory_space<vmem>> -> memref<128x64xf32, #tpu.memory_space<vmem>>
    %dma_wait3A_209 = arith.constant 0 : i32
    %dma_wait3A_210 = tpu.memref_slice %arg5[%dma_wait3A_205, %dma_wait3A_209] : memref<50x128xi32, #tpu.memory_space<vmem>> -> memref<1x128xi32, #tpu.memory_space<vmem>>
    %dma_wait3A_211 = tpu.memref_squeeze %dma_wait3A_210 : memref<1x128xi32, #tpu.memory_space<vmem>> -> memref<128xi32, #tpu.memory_space<vmem>>
    %dma_wait3A_212 = arith.constant 0 : i32
    %dma_wait3A_213 = arith.constant 0 : i32
    %dma_wait3A_214 = tpu.memref_slice %arg2[%dma_wait3A_212, %dma_wait3A_213] : memref<1000000x64xf32, #tpu.memory_space<hbm>> -> memref<1000000x64xf32, #tpu.memory_space<hbm>>
    tpu.wait_indirect_dma semaphore(%arg9 : memref<!tpu.dma_semaphore, #tpu.memory_space<semaphore_mem>>) src(%dma_wait3A_214 : memref<1000000x64xf32, #tpu.memory_space<hbm>>) dst(%dma_wait3A_208 : memref<128x64xf32, #tpu.memory_space<vmem>>)
    %parallel_loop3A_215 = arith.constant 0 : i32
    %parallel_loop3A_216 = arith.constant 640 : i32
    %parallel_loop3A_217 = arith.constant 1 : i32
    scf.for %parallel_loop3A_236 = %parallel_loop3A_215 to %parallel_loop3A_216 step %parallel_loop3A_217  : i32 {
      %parallel_loop3A_237 = arith.index_cast %parallel_loop3A_236 : i32 to index
      %parallel_loop3A_238 = arith.constant 0 : index
      %parallel_loop3A_239 = tpu.vector_load %arg7[%parallel_loop3A_237, %parallel_loop3A_238] {strides = array<i32>} : memref<640x64xf32, #tpu.memory_space<vmem>>, vector<1x16xf32>,
      %parallel_loop3A_240 = vector.shape_cast %parallel_loop3A_239 : vector<1x16xf32> to vector<16xf32>
      %parallel_loop3A_241 = arith.constant 8.000000e+00 : f32
      %parallel_loop3A_242 = vector.broadcast %parallel_loop3A_241 : f32 to vector<16xf32>
      %parallel_loop3A_243 = arith.mulf %parallel_loop3A_240, %parallel_loop3A_242 : vector<16xf32>
      %parallel_loop3A_244 = arith.index_cast %parallel_loop3A_236 : i32 to index
      %parallel_loop3A_245 = arith.constant 0 : index
      %parallel_loop3A_246 = tpu.vector_load %arg7[%parallel_loop3A_244, %parallel_loop3A_245] {strides = array<i32>} : memref<640x64xf32, #tpu.memory_space<vmem>>, vector<1x16xf32>,
      %parallel_loop3A_247 = vector.shape_cast %parallel_loop3A_246 : vector<1x16xf32> to vector<16xf32>
      %parallel_loop3A_248 = vector.shape_cast %parallel_loop3A_243 : vector<16xf32> to vector<1x16xf32>
      tpu.vector_store %arg7[%parallel_loop3A_244, %parallel_loop3A_245], %parallel_loop3A_248 {strides = array<i32>} : memref<640x64xf32, #tpu.memory_space<vmem>>, vector<1x16xf32>,
      %parallel_loop3A_249 = arith.index_cast %parallel_loop3A_236 : i32 to index
      %parallel_loop3A_250 = arith.constant 16 : index
      %parallel_loop3A_251 = tpu.vector_load %arg7[%parallel_loop3A_249, %parallel_loop3A_250] {strides = array<i32>} : memref<640x64xf32, #tpu.memory_space<vmem>>, vector<1x16xf32>,
      %parallel_loop3A_252 = vector.shape_cast %parallel_loop3A_251 : vector<1x16xf32> to vector<16xf32>
      %parallel_loop3A_253 = arith.constant 8.000000e+00 : f32
      %parallel_loop3A_254 = vector.broadcast %parallel_loop3A_253 : f32 to vector<16xf32>
      %parallel_loop3A_255 = arith.mulf %parallel_loop3A_252, %parallel_loop3A_254 : vector<16xf32>
      %parallel_loop3A_256 = arith.index_cast %parallel_loop3A_236 : i32 to index
      %parallel_loop3A_257 = arith.constant 16 : index
      %parallel_loop3A_258 = tpu.vector_load %arg7[%parallel_loop3A_256, %parallel_loop3A_257] {strides = array<i32>} : memref<640x64xf32, #tpu.memory_space<vmem>>, vector<1x16xf32>,
      %parallel_loop3A_259 = vector.shape_cast %parallel_loop3A_258 : vector<1x16xf32> to vector<16xf32>
      %parallel_loop3A_260 = vector.shape_cast %parallel_loop3A_255 : vector<16xf32> to vector<1x16xf32>
      tpu.vector_store %arg7[%parallel_loop3A_256, %parallel_loop3A_257], %parallel_loop3A_260 {strides = array<i32>} : memref<640x64xf32, #tpu.memory_space<vmem>>, vector<1x16xf32>,
      %parallel_loop3A_261 = arith.index_cast %parallel_loop3A_236 : i32 to index
      %parallel_loop3A_262 = arith.constant 32 : index
      %parallel_loop3A_263 = tpu.vector_load %arg7[%parallel_loop3A_261, %parallel_loop3A_262] {strides = array<i32>} : memref<640x64xf32, #tpu.memory_space<vmem>>, vector<1x16xf32>,
      %parallel_loop3A_264 = vector.shape_cast %parallel_loop3A_263 : vector<1x16xf32> to vector<16xf32>
      %parallel_loop3A_265 = arith.constant 8.000000e+00 : f32
      %parallel_loop3A_266 = vector.broadcast %parallel_loop3A_265 : f32 to vector<16xf32>
      %parallel_loop3A_267 = arith.mulf %parallel_loop3A_264, %parallel_loop3A_266 : vector<16xf32>
      %parallel_loop3A_268 = arith.index_cast %parallel_loop3A_236 : i32 to index
      %parallel_loop3A_269 = arith.constant 32 : index
      %parallel_loop3A_270 = tpu.vector_load %arg7[%parallel_loop3A_268, %parallel_loop3A_269] {strides = array<i32>} : memref<640x64xf32, #tpu.memory_space<vmem>>, vector<1x16xf32>,
      %parallel_loop3A_271 = vector.shape_cast %parallel_loop3A_270 : vector<1x16xf32> to vector<16xf32>
      %parallel_loop3A_272 = vector.shape_cast %parallel_loop3A_267 : vector<16xf32> to vector<1x16xf32>
      tpu.vector_store %arg7[%parallel_loop3A_268, %parallel_loop3A_269], %parallel_loop3A_272 {strides = array<i32>} : memref<640x64xf32, #tpu.memory_space<vmem>>, vector<1x16xf32>,
      %parallel_loop3A_273 = arith.index_cast %parallel_loop3A_236 : i32 to index
      %parallel_loop3A_274 = arith.constant 48 : index
      %parallel_loop3A_275 = tpu.vector_load %arg7[%parallel_loop3A_273, %parallel_loop3A_274] {strides = array<i32>} : memref<640x64xf32, #tpu.memory_space<vmem>>, vector<1x16xf32>,
      %parallel_loop3A_276 = vector.shape_cast %parallel_loop3A_275 : vector<1x16xf32> to vector<16xf32>
      %parallel_loop3A_277 = arith.constant 8.000000e+00 : f32
      %parallel_loop3A_278 = vector.broadcast %parallel_loop3A_277 : f32 to vector<16xf32>
      %parallel_loop3A_279 = arith.mulf %parallel_loop3A_276, %parallel_loop3A_278 : vector<16xf32>
      %parallel_loop3A_280 = arith.index_cast %parallel_loop3A_236 : i32 to index
      %parallel_loop3A_281 = arith.constant 48 : index
      %parallel_loop3A_282 = tpu.vector_load %arg7[%parallel_loop3A_280, %parallel_loop3A_281] {strides = array<i32>} : memref<640x64xf32, #tpu.memory_space<vmem>>, vector<1x16xf32>,
      %parallel_loop3A_283 = vector.shape_cast %parallel_loop3A_282 : vector<1x16xf32> to vector<16xf32>
      %parallel_loop3A_284 = vector.shape_cast %parallel_loop3A_279 : vector<16xf32> to vector<1x16xf32>
      tpu.vector_store %arg7[%parallel_loop3A_280, %parallel_loop3A_281], %parallel_loop3A_284 {strides = array<i32>} : memref<640x64xf32, #tpu.memory_space<vmem>>, vector<1x16xf32>,
    } {sc.loop_unroll_factor = 8 : i64, sc.parallel_access}
    %add3A_218 = arith.constant 5760 : i32
    %add3A_219 = arith.addi %mul3A_2, %add3A_218 : i32
    %dma_start3A_220 = arith.constant 0 : i32
    %dma_start3A_221 = tpu.memref_slice %arg4[%add3A_219, %dma_start3A_220] : memref<204800x64xf32, #tpu.memory_space<hbm>> -> memref<640x64xf32, #tpu.memory_space<hbm>>
    %dma_start3A_222 = arith.constant 0 : i32
    %dma_start3A_223 = tpu.memref_slice %arg4[%add3A_219, %dma_start3A_222] : memref<204800x64xf32, #tpu.memory_space<hbm>> -> memref<640x64xf32, #tpu.memory_space<hbm>>
    tpu.enqueue_dma source(%arg7 : memref<640x64xf32, #tpu.memory_space<vmem>>) target(%dma_start3A_223 : memref<640x64xf32, #tpu.memory_space<hbm>>) target_semaphore(%arg11 : memref<!tpu.dma_semaphore, #tpu.memory_space<semaphore_mem>>)
    %add3A_224 = arith.constant 5120 : i32
    %add3A_225 = arith.addi %mul3A_2, %add3A_224 : i32
    %dma_wait3A_226 = arith.constant 0 : i32
    %dma_wait3A_227 = tpu.memref_slice %arg4[%add3A_225, %dma_wait3A_226] : memref<204800x64xf32, #tpu.memory_space<hbm>> -> memref<640x64xf32, #tpu.memory_space<hbm>>
    %dma_wait3A_228 = arith.constant 0 : i32
    %dma_wait3A_229 = tpu.memref_slice %arg4[%add3A_225, %dma_wait3A_228] : memref<204800x64xf32, #tpu.memory_space<hbm>> -> memref<640x64xf32, #tpu.memory_space<hbm>>
    tpu.wait_dma2 semaphore(%arg10 : memref<!tpu.dma_semaphore, #tpu.memory_space<semaphore_mem>>) src(%arg6 : memref<640x64xf32, #tpu.memory_space<vmem>>) dst(%dma_wait3A_229 : memref<640x64xf32, #tpu.memory_space<hbm>>)
    %add3A_230 = arith.constant 5760 : i32
    %add3A_231 = arith.addi %mul3A_2, %add3A_230 : i32
    %dma_wait3A_232 = arith.constant 0 : i32
    %dma_wait3A_233 = tpu.memref_slice %arg4[%add3A_231, %dma_wait3A_232] : memref<204800x64xf32, #tpu.memory_space<hbm>> -> memref<640x64xf32, #tpu.memory_space<hbm>>
    %dma_wait3A_234 = arith.constant 0 : i32
    %dma_wait3A_235 = tpu.memref_slice %arg4[%add3A_231, %dma_wait3A_234] : memref<204800x64xf32, #tpu.memory_space<hbm>> -> memref<640x64xf32, #tpu.memory_space<hbm>>
    tpu.wait_dma2 semaphore(%arg11 : memref<!tpu.dma_semaphore, #tpu.memory_space<semaphore_mem>>) src(%arg7 : memref<640x64xf32, #tpu.memory_space<vmem>>) dst(%dma_wait3A_235 : memref<640x64xf32, #tpu.memory_space<hbm>>)
    return
  }
}

</mosaic_0001>

<sc_bundles>
// kernel: _embed.3.cloned.1.call-start
scs
__scs_entry_jumppad:
0x0: {  	(pc) =	sbr.rel $0x88, $3  }
0x1: {  	(tag) =	ssettag $0x0;
	lr =	simm.s32 $0x1  }
0x2: {  	[smem:$0x3F9F] =	sst lr;
	_ =	strace $0xD0000000  }
0x3: {  	_ = 	snop  }
0x4: {  	_ = 	snop  }
0x5: {  	_ = 	snop  }
0x6: {  	_ = 	snop  }
0x7: {  	_ = 	snop  }
__scs_overlays_trampoline_lowered:
0x8: {  	[smem:$0x3FAE] =	sst s0  }
0x9: {  	[smem:$0x3FAF] =	sst s1  }
0xa: {  	[smem:$0x3FB0] =	sst s2  }
0xb: {  	[smem:$0x3FB1] =	sst s3  }
0xc: {  	[smem:$0x3FB2] =	sst s4  }
0xd: {  	[smem:$0x3FB3] =	sst s5  }
0xe: {  	[smem:$0x3FB4] =	sst s6  }
0xf: {  	[smem:$0x3FB5] =	sst s7  }
0x10: {  	[smem:$0x3FB6] =	sst s8  }
0x11: {  	[smem:$0x3FB7] =	sst s9;
	s0 =	simm.s32 @!p0 $0x0  }
0x12: {  	s1 =	sld [smem:$0x3F9D];
	s0 =	simm.s32 @p0 $0x1  }
0x13: {  	[smem:$0x3FB8] =	sst s0;
	s0 =	simm.s32 @!p1 $0x0  }
0x14: {  	s2 =	sld [smem:$0x3F9C];
	s0 =	simm.s32 @p1 $0x1  }
0x15: {  	[smem:$0x3FB9] =	sst s0;
	s0 =	simm.s32 @!p2 $0x0  }
0x16: {  	s3 =	sld [smem:$0x3FDB];
	s0 =	simm.s32 @p2 $0x1  }
0x17: {  	s4 =	simm.s32 $0x1BF5;
	[smem:$0x3FBB] =	sst s0  }
0x18: {  	s0 =	sld [smem:$0x3F9E];
	_ =	swait.ge [sflag:s4], $0x0  }
0x19: {  	s7 =	sld [smem:$0x3F9F]  }
0x1a: {  	s8 =	sadd.s32 $0xFFFFE003, lr  }
0x1b: {  	s9 =	sadd.s32 $0xFFFFFEF7, lr;
	s5 =	simm.s32 $0xFFFFFFFF;
	p2 =	slt.u32 s8, $0xFFFFF086  }
0x1c: {  	p1 =	slt.u32 s9, $0xF7A;
	s5 =	simm.s32 @!p2 $0x0  }
0x1d: {  	s5 =	simm.s32 @p1 $0x1;
	p0 =	seq.s32 s7, s2  }
0x1e: {  	s7 =	smul.u32 @!p0 $0xF7A, s2;
	p2 =	seq.s32 @!p0 s5, $0x0  }
0x1f: {  	s9 =	smul.u32 $0xF7A, s1;
	s8 =	simm.s32 @!p0 $0x1BF5;
	p2 =	por !p2, p0  }
0x20: {  	[sflag:s8] =	ssyncset.s32 @!p0 $0xFFFFF086;
	s6 =	sadd.s32 @!p0 s3, s7;
	s7 =	simm.s32 @!p0 $0x108  }
0x21: {  	s3 =	sadd.s32 s3, s9;
	s6 =	sadd.s32 @!p0 $0x88, s6;
	s7 =	simm.s32 @p2 $0x1082  }
0x22: {  	[simem:s7], [sflag:s8] =	dma.local @!p0 [hbm:s6], $0xF7A  }
0x23: {  	s9 =	sor.u32 $0xD0000000, s2;
	s6 =	simm.s32 $0x108;
	_ =	swait.ge @!p0 [sflag:s8], $0x0  }
0x24: {  	s3 =	sadd.s32 $0x88, s3;
	s6 =	simm.s32 @!p1 $0x1082;
	[sflag:s4] =	ssyncset.s32 $0xFFFFF086  }
0x25: {  	[simem:s6], [sflag:s4] =	dma.local [hbm:s3], $0xF7A  }
0x26: {  	[smem:$0x3F9F] =	sst s1;
	(tag) =	ssettag s2;
	_ =	strace s9  }
0x27: {  	s1 =	sld [smem:$0x3FAF]  }
0x28: {  	s2 =	sld [smem:$0x3FB0]  }
0x29: {  	s4 =	sld [smem:$0x3FB2]  }
0x2a: {  	p0 =	seq.s32 s5, $0x0;
	s5 =	sld [smem:$0x3FB3]  }
0x2b: {  	s6 =	sld [smem:$0x3FB4]  }
0x2c: {  	s7 =	sld [smem:$0x3FB5]  }
0x2d: {  	s3 =	simm.s32 $0x108;
	s8 =	sld [smem:$0x3FB6]  }
0x2e: {  	s3 =	simm.s32 @!p0 $0x1082;
	s9 =	sld [smem:$0x3FB7]  }
0x2f: {  	lr =	sadd.s32 s0, s3;
	s0 =	sld [smem:$0x3FAE]  }
0x30: {  	s3 =	sld [smem:$0x3FB1]  }
0x31: {  	[smem:$0x3FBA] =	sst s10  }
0x32: {  	s10 =	sld [smem:$0x3FB8];
	_ =	sdelay $0x3  }
0x33: {  	p0 =	seq.s32 s10, $0x1;
	s10 =	sld [smem:$0x3FBA];
	_ =	sdelay $0x3  }
0x34: {  	[smem:$0x3FBA] =	sst s10  }
0x35: {  	s10 =	sld [smem:$0x3FB9];
	_ =	sdelay $0x3  }
0x36: {  	p1 =	seq.s32 s10, $0x1;
	s10 =	sld [smem:$0x3FBA];
	_ =	sdelay $0x3  }
0x37: {  	[smem:$0x3FBA] =	sst s10  }
0x38: {  	s10 =	sld [smem:$0x3FBB]  }
0x39: {  	_ = 	snop;
	(pc) =	sbr.ind lr, $3  }
0x3a: {  	_ = 	snop  }
0x3b: {  	_ = 	snop  }
0x3c: {  	p2 =	seq.s32 s10, $0x1;
	s10 =	sld [smem:$0x3FBA]  }
0x3d: {  	_ =	shalt  }
0x3e: {  	_ =	shalt  }
0x3f: {  	_ =	shalt  }
0x40: {  	_ =	shalt  }
0x41: {  	_ =	shalt  }
0x42: {  	_ =	shalt  }
0x43: {  	_ =	shalt  }
0x44: {  	_ =	shalt  }
0x45: {  	_ =	shalt  }
0x46: {  	_ =	shalt  }
0x47: {  	_ =	shalt  }
0x48: {  	_ =	shalt  }
0x49: {  	_ =	shalt  }
0x4a: {  	_ =	shalt  }
0x4b: {  	_ =	shalt  }
0x4c: {  	_ =	shalt  }
0x4d: {  	_ =	shalt  }
0x4e: {  	_ =	shalt  }
0x4f: {  	_ =	shalt  }
0x50: {  	_ =	shalt  }
0x51: {  	_ =	shalt  }
0x52: {  	_ =	shalt  }
0x53: {  	_ =	shalt  }
0x54: {  	_ =	shalt  }
0x55: {  	_ =	shalt  }
0x56: {  	_ =	shalt  }
0x57: {  	_ =	shalt  }
0x58: {  	_ =	shalt  }
0x59: {  	_ =	shalt  }
0x5a: {  	_ =	shalt  }
0x5b: {  	_ =	shalt  }
0x5c: {  	_ =	shalt  }
0x5d: {  	_ =	shalt  }
0x5e: {  	_ =	shalt  }
0x5f: {  	_ =	shalt  }
0x60: {  	_ =	shalt  }
0x61: {  	_ =	shalt  }
0x62: {  	_ =	shalt  }
0x63: {  	_ =	shalt  }
0x64: {  	_ =	shalt  }
0x65: {  	_ =	shalt  }
0x66: {  	_ =	shalt  }
0x67: {  	_ =	shalt  }
0x68: {  	_ =	shalt  }
0x69: {  	_ =	shalt  }
0x6a: {  	_ =	shalt  }
0x6b: {  	_ =	shalt  }
0x6c: {  	_ =	shalt  }
0x6d: {  	_ =	shalt  }
0x6e: {  	_ =	shalt  }
0x6f: {  	_ =	shalt  }
0x70: {  	_ =	shalt  }
0x71: {  	_ =	shalt  }
0x72: {  	_ =	shalt  }
0x73: {  	_ =	shalt  }
0x74: {  	_ =	shalt  }
0x75: {  	_ =	shalt  }
0x76: {  	_ =	shalt  }
0x77: {  	_ =	shalt  }
0x78: {  	_ =	shalt  }
0x79: {  	_ =	shalt  }
0x7a: {  	_ =	shalt  }
0x7b: {  	_ =	shalt  }
0x7c: {  	_ =	shalt  }
0x7d: {  	_ =	shalt  }
0x7e: {  	_ =	shalt  }
0x7f: {  	_ =	shalt  }
0x80: {  	_ =	shalt  }
0x81: {  	_ =	shalt  }
0x82: {  	_ =	shalt  }
0x83: {  	_ =	shalt  }
0x84: {  	_ =	shalt  }
0x85: {  	_ =	shalt  }
0x86: {  	_ =	shalt  }
0x87: {  	_ =	shalt  }
.Lfunc_end0:
.L_simem_size_0:
called_computation.1_lowered:
.L_overlay_start_0:
0x88: {  	s2 =	sld [smem:$0x3FD9]  }
0x89: {  	s3 =	sld [smem:$0x3FFE];
	_ =	sdelay $0x1  }
0x8a: {  	s1 =	srdreg.scid  }
0x8b: {  	s0 =	sand.u32 $0x1, s1  }
0x8c: {  	s17 =	sshll.u32 s0, $0xA;
	s2 =	sadd.s32 s3, s2  }
0x8d: {  	s2 =	sadd.s32 s2, s17  }
0x8e: {  	[smem:$0x3FC6] =	sst s2  }
0x8f: {  	_ = 	snop  }
0x90: {  	s2 =	sld [smem:$0x3FD0];
	(tm) =	ssettm $0x1  }
0x91: {  	s18 =	sld [smem:$0x3FFB];
	_ =	sdelay $0x3  }
0x92: {  	_ =	strace s18  }
0x93: {  	s3 =	sld [smem:$0x3FFC];
	_ =	sdelay $0x3  }
0x94: {  	_ =	strace s3  }
0x95: {  	s3 =	sld [smem:$0x3FFD];
	_ =	sdelay $0x3  }
0x96: {  	_ =	strace s3  }
0x97: {  	_ =	strace $0x8FFFFFFF  }
0x98: {  	s19 =	sld [smem:$0x3FDB];
	_ =	sdelay $0x1  }
0x99: {  	s4 =	simm.s32 $_scs_section_size  }
0x9a: {  	s5 =	simm.s32 $_size__tile_overlayer_lowered;
	s6 =	simm.s32 $_tile_overlayer_lowered  }
0x9b: {  	s22 =	simm.s32 $0x1BFF;
	s21 =	sshll.u32 s6, $0x1;
	s3 =	sadd.s32 s4, s19  }
0x9c: {  	s7 =	simm.s32 $0x0;
	s20 =	sshll.u32 s5, $0x1;
	s5 =	sadd.s32 s21, s3  }
0x9d: {  	[timem:s7], [sflag:s22] =	dma.local [hbm:s5], s20  }
0x9e: {  	_ =	swait.ge [sflag:s22], s20  }
0x9f: {  	s4 =	ssub.s32 $0x0, s20;
	[sflag:s22] =	ssyncset.done $0x0  }
0xa0: {  	[sflag:s22] =	ssyncadd.s32 s4;
	_ =	sdelay $0x1  }
0xa1: {  	s23 =	simm.s32 $0x1B8B  }
0xa2: {  	_ =	swait.ge [sflag:s23], $0x1  }
0xa3: {  	[sflag:s23] =	ssyncset.done $0x0  }
0xa4: {  	s25 =	simm.s32 $0x1B8E;
	s24 =	sld [smem:$0x3FFE];
	[sflag:s23] =	ssyncadd.s32 $0xFFFFFFFF  }
0xa5: {  	s26 =	simm.s32 $execute0_lowered;
	[smem:$0x3FD2] =	sst s25  }
0xa6: {  	s5 =	sshll.u32 s26, $0x1;
	_ =	strace $0x80000046;
	[dreg:$0x1] =	wrdreg $0xFFFFFFFF  }
0xa7: {  	s28 =	simm.s32 $_size_execute0_lowered;
	s3 =	sadd.s32 s3, s5;
	[dreg:$0x0] =	wrdreg $0x0  }
0xa8: {  	s5 =	sshll.u32 s28, $0x1;
	[dreg:$0x2] =	wrdreg s3  }
0xa9: {  	[dreg:$0x3] =	wrdreg s5  }
0xaa: {  	[dreg:$0x4] =	wrdreg $0xC0  }
0xab: {  	_ =	task [dreg:s7], $0x5FFFF  }
0xac: {  	[dreg:$0x1] =	wrdreg $0xFFFFFFFF  }
0xad: {  	[dreg:$0x0] =	wrdreg $0x60  }
0xae: {  	[dreg:$0x2] =	wrdreg s24  }
0xaf: {  	[dreg:$0x3] =	wrdreg s2  }
0xb0: {  	[dreg:$0x4] =	wrdreg $0x9  }
0xb1: {  	_ =	task.clear_ibuf [dreg:s7], $0x5FFFF;
	_ =	strace $0x90000046  }
0xb2: {  	s29 =	simm.s32 $0x9;
	_ =	strace $0x80000048  }
0xb3: {  	_ =	swait.ge [sflag:s29], $0x1  }
0xb4: {  	[sflag:s29] =	ssyncadd.s32 $0xFFFFFFFF  }
0xb5: {  	_ =	strace $0x90000048  }
0xb6: {  	_ =	sfence  }
0xb7: {  	s30 =	sld [smem:$0x0];
	_ =	sdelay $0x2  }
0xb8: {  	s31 =	sshll.u32 s1, $0xD;
	s1 =	sshrl.u32 s1, $0x2  }
0xb9: {  	s3 =	sand.u32 $0x4000, s31;
	s1 =	sadd.s32 s1, s30  }
0xba: {  	s0 =	sor.u32 s3, s0;
	s1 =	sshll.u32 s1, $0x11  }
0xbb: {  	s0 =	sor.u32 s1, s0  }
0xbc: {  	s0 =	sadd.s32 $0x8F2B, s0  }
0xbd: {  	[sflag:s0] =	ssyncadd.remote.s32 $0x1  }
0xbe: {  	_ =	sfence.sel $0xFFFF  }
0xbf: {  	[dreg:$0x0] =	wrdreg $0xFFFFFFFF;
	(pc) =	sbr.abs _section_cstart, $3  }
0xc0: {  	[dreg:$0x1] =	wrdreg $0xFFFFFFFF  }
0xc1: {  	_ =	task.clear_ibuf [dreg:s7], $0x2FFFF;
	_ =	strace $0x9FFFFFFF  }
0xc2: {  	(tm) =	ssettm $0x7FFFFFFF  }
0xc3: {  	_ =	shalt  }
tec
execute0_lowered:
.L_overlay_start_1:
0x0: {  	(tag) =	ssettag $0x1  }
0x1: {  	s0 =	srdreg.scid  }
0x2: {  	s2 =	stileid.u32;
	s1 =	rddreg [dreg:$0x0]  }
0x3: {  	s11 =	simm.s32 $0x5;
	s12 =	simm.s32 $0x80;
	s13 =	simm.s32 $0x1900  }
0x4: {  	s14 =	simm.s32 $0x3900;
	s16 =	simm.s32 $0x5900;
	s18 =	simm.s32 $0x7900  }
0x5: {  	s20 =	simm.s32 $0x9900;
	s22 =	simm.s32 $0xB900;
	s24 =	simm.s32 $0xD900  }
0x6: {  	s26 =	simm.s32 $0xF900;
	s29 =	simm.s32 $0x11900;
	s31 =	simm.s32 $0x13900  }
0x7: {  	s15 =	simm.s32 $0x3;
	s0 =	sand.u32 $0x1, s0;
	s3 =	sshll.u32 s2, $0x1  }
0x8: {  	s17 =	simm.s32 $0x4;
	s19 =	simm.s32 $0x0;
	s5 =	sor.u32 s0, s3  }
0x9: {  	s2 =	rddreg [dreg:$0x1];
	s3 =	simm.s32 $0x0;
	s4 =	smul.u32 $0x1900, s5  }
0xa: {  	s0 =	ssub.s32 $0x2, s0;
	[smem:$0x7FF] =	sst s3;
	s6 =	smul.u32 $0x64000, s5  }
0xb: {  	s5 =	sadd.s32 $0xF42E00, s1;
	s8 =	sshrl.u32 s0, $0x1;
	_ =	strace $0x80000047  }
0xc: {  	s0 =	ssub.s32 s0, s8;
	s7 =	sshrl.u32 s4, $0x3;
	s6 =	sshrl.u32 s6, $0x3  }
0xd: {  	s10 =	smax.u32 s0, $0x1;
	s0 =	simm.s32 $0x2;
	s1 =	sadd.s32 s7, s1  }
0xe: {  	s9 =	sadd.s32 s2, s6;
	s7 =	sadd.s32 $0x280, s4;
	s6 =	sadd.s32 $0xA00, s1  }
0xf: {  	s8 =	sadd.s32 $0xA000, s9;
	s9 =	sadd.s32 $0xB400, s9;
	s1 =	simm.s32 $0x1  }
.LBB2_1:
0x10: {  	[tilespmem:s3], [sflag:$0x5] =	stream.linear.gather [hbm4b:s6+s3], $0x1900, $0x38;
	[tilespmem:$0x15900] =	vst v63  }
0x11: {  	_ =	swait.ge [sflag:s11], $0x1900  }
0x12: {  	[sflag:s11] =	ssyncset.done $0x0  }
0x13: {  	[sflag:s11] =	ssyncadd.s32 $0xFFFFE700  }
0x14: {  	[tilespmem:s13], [sflag:$0x1] =	stream.indirect.gather [hbm4b:s5+s12], $0x40, s3, s12, $0xb8;
	[tilespmem:$0x15900] =	vst v63  }
0x15: {  	_ = 	snop  }
0x16: {  	[tilespmem:s14], [sflag:$0x1] =	stream.indirect.gather [hbm4b:s5+s12], $0x40, s12, s12, $0xb8;
	[tilespmem:$0x15900] =	vst v63  }
0x17: {  	s21 =	simm.s32 $0x100  }
0x18: {  	[tilespmem:s16], [sflag:$0x1] =	stream.indirect.gather [hbm4b:s5+s12], $0x40, s21, s12, $0xb8;
	[tilespmem:$0x15900] =	vst v63  }
0x19: {  	s25 =	simm.s32 $0x180  }
0x1a: {  	[tilespmem:s18], [sflag:$0x1] =	stream.indirect.gather [hbm4b:s5+s12], $0x40, s25, s12, $0xb8;
	[tilespmem:$0x15900] =	vst v63  }
0x1b: {  	s28 =	simm.s32 $0x200  }
0x1c: {  	[tilespmem:s20], [sflag:$0x1] =	stream.indirect.gather [hbm4b:s5+s12], $0x40, s28, s12, $0xb8;
	[tilespmem:$0x15900] =	vst v63  }
0x1d: {  	s30 =	simm.s32 $0x280  }
0x1e: {  	[tilespmem:s22], [sflag:$0x2] =	stream.indirect.gather [hbm4b:s5+s12], $0x40, s30, s12, $0xb8;
	[tilespmem:$0x15900] =	vst v63  }
0x1f: {  	s23 =	simm.s32 $0x300  }
0x20: {  	[tilespmem:s24], [sflag:$0x2] =	stream.indirect.gather [hbm4b:s5+s12], $0x40, s23, s12, $0xb8;
	[tilespmem:$0x15900] =	vst v63  }
0x21: {  	s25 =	simm.s32 $0x380  }
0x22: {  	[tilespmem:s26], [sflag:$0x2] =	stream.indirect.gather [hbm4b:s5+s12], $0x40, s25, s12, $0xb8;
	[tilespmem:$0x15900] =	vst v63  }
0x23: {  	s28 =	simm.s32 $0x400  }
0x24: {  	[tilespmem:s29], [sflag:$0x2] =	stream.indirect.gather [hbm4b:s5+s12], $0x40, s28, s12, $0xb8;
	[tilespmem:$0x15900] =	vst v63  }
0x25: {  	s21 =	simm.s32 $0x0;
	s30 =	simm.s32 $0x480  }
0x26: {  	[tilespmem:s31], [sflag:$0x2] =	stream.indirect.gather [hbm4b:s5+s12], $0x40, s30, s12, $0xb8;
	[tilespmem:$0x15900] =	vst v63  }
.LBB2_2:
0x27: {  	_ =	swait.ge [sflag:s1], $0x2000  }
0x28: {  	[sflag:s1] =	ssyncset.done $0x0  }
0x29: {  	[sflag:s1] =	ssyncadd.s32 $0xFFFFE000  }
0x2a: {  	_ =	swait.ge [sflag:s1], $0x2000  }
0x2b: {  	[sflag:s1] =	ssyncset.done $0x0  }
0x2c: {  	[sflag:s1] =	ssyncadd.s32 $0xFFFFE000  }
0x2d: {  	_ =	swait.ge [sflag:s1], $0x2000  }
0x2e: {  	[sflag:s1] =	ssyncset.done $0x0  }
0x2f: {  	[sflag:s1] =	ssyncadd.s32 $0xFFFFE000  }
0x30: {  	_ =	swait.ge [sflag:s1], $0x2000  }
0x31: {  	[sflag:s1] =	ssyncset.done $0x0  }
0x32: {  	[sflag:s1] =	ssyncadd.s32 $0xFFFFE000  }
0x33: {  	_ =	swait.ge [sflag:s1], $0x2000  }
0x34: {  	[sflag:s1] =	ssyncset.done $0x0  }
0x35: {  	s25 =	simm.s32 $0x1A00;
	[sflag:s1] =	ssyncadd.s32 $0xFFFFE000  }
0x36: {  	v0 =	vld [tilespmem:s25+$0xF0]  }
0x37: {  	v1 =	vld [tilespmem:s25+$0xFFFFFF10]  }
0x38: {  	v2 =	vld [tilespmem:s25+$0xFFFFFF20]  }
0x39: {  	v3 =	vld [tilespmem:s25+$0xFFFFFF30]  }
0x3a: {  	v4 =	vld [tilespmem:s25+$0xFFFFFF40]  }
0x3b: {  	v5 =	vld [tilespmem:s25+$0xFFFFFF50];
	v0 =	vmul.f32 $8.000000000e+00, v0  }
0x3c: {  	v6 =	vld [tilespmem:s25+$0xFFFFFF60];
	v1 =	vmul.f32 $8.000000000e+00, v1  }
0x3d: {  	v7 =	vld [tilespmem:s25+$0xFFFFFF70];
	v2 =	vmul.f32 $8.000000000e+00, v2;
	[tilespmem:s25+$0xF0] =	vst v0  }
0x3e: {  	[tilespmem:s25+$0xFFFFFF10] =	vst v1;
	v0 =	vmul.f32 $8.000000000e+00, v3;
	v1 =	vld [tilespmem:s25+$0xFFFFFF80]  }
0x3f: {  	[tilespmem:s25+$0xFFFFFF20] =	vst v2;
	v2 =	vmul.f32 $8.000000000e+00, v4;
	v3 =	vld [tilespmem:s25+$0xFFFFFF90]  }
0x40: {  	v4 =	vld [tilespmem:s25+$0xFFFFFFA0];
	[tilespmem:s25+$0xFFFFFF30] =	vst v0;
	v0 =	vmul.f32 $8.000000000e+00, v5  }
0x41: {  	[tilespmem:s25+$0xFFFFFF40] =	vst v2;
	v2 =	vmul.f32 $8.000000000e+00, v6;
	v5 =	vld [tilespmem:s25+$0xFFFFFFB0]  }
0x42: {  	v6 =	vld [tilespmem:s25+$0xFFFFFFC0];
	[tilespmem:s25+$0xFFFFFF50] =	vst v0;
	v0 =	vmul.f32 $8.000000000e+00, v7  }
0x43: {  	[tilespmem:s25+$0xFFFFFF60] =	vst v2;
	v2 =	vld [tilespmem:s25+$0xFFFFFFD0];
	v1 =	vmul.f32 $8.000000000e+00, v1  }
0x44: {  	[tilespmem:s25+$0xFFFFFF70] =	vst v0;
	v0 =	vmul.f32 $8.000000000e+00, v3;
	v3 =	vld [tilespmem:s25+$0xFFFFFFE0]  }
0x45: {  	[tilespmem:s25+$0xFFFFFF80] =	vst v1;
	v1 =	vmul.f32 $8.000000000e+00, v4;
	v4 =	vld [tilespmem:s25+$0xFFFFFFF0]  }
0x46: {  	[tilespmem:s25+$0xFFFFFF90] =	vst v0;
	v0 =	vmul.f32 $8.000000000e+00, v5;
	v5 =	vld [tilespmem:s25+$0x0]  }
0x47: {  	[tilespmem:s25+$0xFFFFFFA0] =	vst v1;
	v1 =	vmul.f32 $8.000000000e+00, v6;
	v6 =	vld [tilespmem:s25+$0x10]  }
0x48: {  	[tilespmem:s25+$0xFFFFFFB0] =	vst v0;
	v0 =	vmul.f32 $8.000000000e+00, v2;
	v2 =	vld [tilespmem:s25+$0x20]  }
0x49: {  	[tilespmem:s25+$0xFFFFFFC0] =	vst v1;
	v1 =	vmul.f32 $8.000000000e+00, v3;
	v3 =	vld [tilespmem:s25+$0x30]  }
0x4a: {  	[tilespmem:s25+$0xFFFFFFD0] =	vst v0;
	v0 =	vmul.f32 $8.000000000e+00, v4;
	v4 =	vld [tilespmem:s25+$0x40]  }
0x4b: {  	[tilespmem:s25+$0xFFFFFFE0] =	vst v1;
	v1 =	vmul.f32 $8.000000000e+00, v5;
	v5 =	vld [tilespmem:s25+$0x50]  }
0x4c: {  	[tilespmem:s25+$0xFFFFFFF0] =	vst v0;
	v0 =	vmul.f32 $8.000000000e+00, v6;
	v6 =	vld [tilespmem:s25+$0x60]  }
0x4d: {  	[tilespmem:s25+$0x0] =	vst v1;
	v1 =	vmul.f32 $8.000000000e+00, v2;
	v2 =	vld [tilespmem:s25+$0x70]  }
0x4e: {  	[tilespmem:s25+$0x10] =	vst v0;
	v0 =	vmul.f32 $8.000000000e+00, v3;
	v3 =	vld [tilespmem:s25+$0x80]  }
0x4f: {  	[tilespmem:s25+$0x20] =	vst v1;
	v1 =	vmul.f32 $8.000000000e+00, v4;
	v4 =	vld [tilespmem:s25+$0x90]  }
0x50: {  	v7 =	vld [tilespmem:s25+$0xA0];
	[tilespmem:s25+$0x30] =	vst v0;
	v5 =	vmul.f32 $8.000000000e+00, v5  }
0x51: {  	v0 =	vld [tilespmem:s25+$0xB0];
	[tilespmem:s25+$0x40] =	vst v1;
	v6 =	vmul.f32 $8.000000000e+00, v6  }
0x52: {  	v1 =	vld [tilespmem:s25+$0xC0];
	[tilespmem:s25+$0x50] =	vst v5;
	v2 =	vmul.f32 $8.000000000e+00, v2  }
0x53: {  	[tilespmem:s25+$0x60] =	vst v6;
	v6 =	vmul.f32 $8.000000000e+00, v3;
	v3 =	vld [tilespmem:s25+$0xD0]  }
0x54: {  	[tilespmem:s25+$0x70] =	vst v2;
	v2 =	vld [tilespmem:s25+$0xE0];
	v5 =	vmul.f32 $8.000000000e+00, v4  }
0x55: {  	s23 =	simm.s32 $0x0;
	s28 =	simm.s32 $0x1C00;
	v4 =	vld [tilespmem:s25+$0xFFFFFF00];
	[tilespmem:s25+$0x80] =	vst v6;
	v6 =	vmul.f32 $8.000000000e+00, v7  }
.LBB2_3:
0x56: {  	v7 =	vld [tilespmem:s28+$0xF0];
	s23 =	sadd.s32 $0x8, s23;
	[tilespmem:s25+$0x90] =	vst v5;
	v0 =	vmul.f32 $8.000000000e+00, v0  }
0x57: {  	v5 =	vld [tilespmem:s28+$0xFFFFFF10];
	p0 =	slt.u32 s23, $0x278;
	[tilespmem:s25+$0xA0] =	vst v6;
	v1 =	vmul.f32 $8.000000000e+00, v1  }
0x58: {  	v6 =	vld [tilespmem:s28+$0xFFFFFF20];
	[tilespmem:s25+$0xB0] =	vst v0;
	v0 =	vmul.f32 $8.000000000e+00, v3  }
0x59: {  	v3 =	vld [tilespmem:s28+$0xFFFFFF30];
	[tilespmem:s25+$0xC0] =	vst v1;
	v1 =	vmul.f32 $8.000000000e+00, v2  }
0x5a: {  	v2 =	vld [tilespmem:s28+$0xFFFFFF40];
	v4 =	vmul.f32 $8.000000000e+00, v4;
	[tilespmem:s25+$0xD0] =	vst v0  }
0x5b: {  	v0 =	vld [tilespmem:s28+$0xFFFFFF50];
	v7 =	vmul.f32 $8.000000000e+00, v7;
	[tilespmem:s25+$0xE0] =	vst v1  }
0x5c: {  	v1 =	vmul.f32 $8.000000000e+00, v5;
	v5 =	vld [tilespmem:s28+$0xFFFFFF60];
	[tilespmem:s25+$0xFFFFFF00] =	vst v4;
	s25 =	smov.u32 s28  }
0x5d: {  	v4 =	vmul.f32 $8.000000000e+00, v6;
	v6 =	vld [tilespmem:s28+$0xFFFFFF70];
	[tilespmem:s28+$0xF0] =	vst v7  }
0x5e: {  	[tilespmem:s28+$0xFFFFFF10] =	vst v1;
	v1 =	vmul.f32 $8.000000000e+00, v3;
	v3 =	vld [tilespmem:s28+$0xFFFFFF80]  }
0x5f: {  	[tilespmem:s28+$0xFFFFFF20] =	vst v4;
	v2 =	vmul.f32 $8.000000000e+00, v2;
	v4 =	vld [tilespmem:s28+$0xFFFFFF90]  }
0x60: {  	[tilespmem:s28+$0xFFFFFF30] =	vst v1;
	v0 =	vmul.f32 $8.000000000e+00, v0;
	v1 =	vld [tilespmem:s28+$0xFFFFFFA0]  }
0x61: {  	[tilespmem:s28+$0xFFFFFF40] =	vst v2;
	v2 =	vmul.f32 $8.000000000e+00, v5;
	v5 =	vld [tilespmem:s28+$0xFFFFFFB0]  }
0x62: {  	[tilespmem:s28+$0xFFFFFF50] =	vst v0;
	v0 =	vmul.f32 $8.000000000e+00, v6;
	v6 =	vld [tilespmem:s28+$0xFFFFFFC0]  }
0x63: {  	[tilespmem:s28+$0xFFFFFF60] =	vst v2;
	v2 =	vmul.f32 $8.000000000e+00, v3;
	v3 =	vld [tilespmem:s28+$0xFFFFFFD0]  }
0x64: {  	[tilespmem:s28+$0xFFFFFF70] =	vst v0;
	v0 =	vmul.f32 $8.000000000e+00, v4;
	v4 =	vld [tilespmem:s28+$0xFFFFFFE0]  }
0x65: {  	[tilespmem:s28+$0xFFFFFF80] =	vst v2;
	v1 =	vmul.f32 $8.000000000e+00, v1;
	v2 =	vld [tilespmem:s28+$0xFFFFFFF0]  }
0x66: {  	[tilespmem:s28+$0xFFFFFF90] =	vst v0;
	v0 =	vmul.f32 $8.000000000e+00, v5;
	v5 =	vld [tilespmem:s28+$0x0]  }
0x67: {  	[tilespmem:s28+$0xFFFFFFA0] =	vst v1;
	v1 =	vmul.f32 $8.000000000e+00, v6;
	v6 =	vld [tilespmem:s28+$0x10]  }
0x68: {  	[tilespmem:s28+$0xFFFFFFB0] =	vst v0;
	v0 =	vmul.f32 $8.000000000e+00, v3;
	v3 =	vld [tilespmem:s28+$0x20]  }
0x69: {  	[tilespmem:s28+$0xFFFFFFC0] =	vst v1;
	v1 =	vmul.f32 $8.000000000e+00, v4;
	v4 =	vld [tilespmem:s28+$0x30]  }
0x6a: {  	[tilespmem:s28+$0xFFFFFFD0] =	vst v0;
	v0 =	vmul.f32 $8.000000000e+00, v2;
	v2 =	vld [tilespmem:s28+$0x40]  }
0x6b: {  	[tilespmem:s28+$0xFFFFFFE0] =	vst v1;
	v1 =	vmul.f32 $8.000000000e+00, v5;
	v5 =	vld [tilespmem:s28+$0x50]  }
0x6c: {  	[tilespmem:s28+$0xFFFFFFF0] =	vst v0;
	v0 =	vmul.f32 $8.000000000e+00, v6;
	v6 =	vld [tilespmem:s28+$0x60]  }
0x6d: {  	[tilespmem:s28+$0x0] =	vst v1;
	v1 =	vmul.f32 $8.000000000e+00, v3;
	v3 =	vld [tilespmem:s28+$0x70]  }
0x6e: {  	[tilespmem:s28+$0x10] =	vst v0;
	v0 =	vmul.f32 $8.000000000e+00, v4;
	v4 =	vld [tilespmem:s28+$0x80]  }
0x6f: {  	[tilespmem:s28+$0x20] =	vst v1;
	v1 =	vmul.f32 $8.000000000e+00, v2;
	v2 =	vld [tilespmem:s28+$0x90]  }
0x70: {  	[tilespmem:s28+$0x30] =	vst v0;
	v5 =	vmul.f32 $8.000000000e+00, v5;
	v7 =	vld [tilespmem:s28+$0xA0]  }
.Ltmp0:
0x71: {  	[tilespmem:s28+$0x40] =	vst v1;
	v6 =	vmul.f32 $8.000000000e+00, v6;
	v0 =	vld [tilespmem:s28+$0xB0];
	(pc) =	sbr.rel @p0 .LBB2_3-.Ltmp0, $4  }
0x72: {  	[tilespmem:s28+$0x50] =	vst v5;
	v5 =	vmul.f32 $8.000000000e+00, v3;
	v1 =	vld [tilespmem:s28+$0xC0]  }
0x73: {  	[tilespmem:s28+$0x60] =	vst v6;
	v6 =	vmul.f32 $8.000000000e+00, v4;
	v3 =	vld [tilespmem:s28+$0xD0]  }
0x74: {  	[tilespmem:s28+$0x70] =	vst v5;
	v5 =	vmul.f32 $8.000000000e+00, v2;
	v2 =	vld [tilespmem:s28+$0xE0]  }
0x75: {  	s28 =	sadd.s32 $0x200, s28;
	v4 =	vld [tilespmem:s25+$0xFFFFFF00];
	[tilespmem:s25+$0x80] =	vst v6;
	v6 =	vmul.f32 $8.000000000e+00, v7  }
0x76: {  	[tilespmem:s25+$0x90] =	vst v5;
	v0 =	vmul.f32 $8.000000000e+00, v0  }
0x77: {  	[tilespmem:s25+$0xA0] =	vst v6;
	v1 =	vmul.f32 $8.000000000e+00, v1  }
0x78: {  	s23 =	smul.u32 $0x500, s21;
	[tilespmem:s25+$0xB0] =	vst v0;
	v0 =	vmul.f32 $8.000000000e+00, v3  }
0x79: {  	[tilespmem:s25+$0xC0] =	vst v1;
	v1 =	vmul.f32 $8.000000000e+00, v2  }
0x7a: {  	s28 =	sadd.s32 s4, s23;
	v2 =	vmul.f32 $8.000000000e+00, v4;
	[tilespmem:s25+$0xD0] =	vst v0  }
0x7b: {  	s28 =	sshll.u32 s28, $0x3;
	[tilespmem:s25+$0xE0] =	vst v1  }
0x7c: {  	[tilespmem:s25+$0xFFFFFF00] =	vst v2;
	s25 =	sadd.s32 s2, s28  }
0x7d: {  	[hbm4b:s25+s3] =	stream.linear.scatter [tilespmem:s13], [sflag:$0x3], $0xA000, $0x38;
	[tilespmem:$0x15900] =	vst v63  }
0x7e: {  	_ =	swait.ge [sflag:s0], $0x2000  }
0x7f: {  	[sflag:s0] =	ssyncset.done $0x0  }
0x80: {  	[sflag:s0] =	ssyncadd.s32 $0xFFFFE000  }
0x81: {  	_ =	swait.ge [sflag:s0], $0x2000  }
0x82: {  	[sflag:s0] =	ssyncset.done $0x0  }
0x83: {  	[sflag:s0] =	ssyncadd.s32 $0xFFFFE000  }
0x84: {  	_ =	swait.ge [sflag:s0], $0x2000  }
0x85: {  	[sflag:s0] =	ssyncset.done $0x0  }
0x86: {  	[sflag:s0] =	ssyncadd.s32 $0xFFFFE000  }
0x87: {  	_ =	swait.ge [sflag:s0], $0x2000  }
0x88: {  	[sflag:s0] =	ssyncset.done $0x0  }
0x89: {  	[sflag:s0] =	ssyncadd.s32 $0xFFFFE000  }
0x8a: {  	_ =	swait.ge [sflag:s0], $0x2000  }
0x8b: {  	[sflag:s0] =	ssyncset.done $0x0  }
0x8c: {  	s25 =	simm.s32 $0xBA00;
	[sflag:s0] =	ssyncadd.s32 $0xFFFFE000  }
0x8d: {  	v0 =	vld [tilespmem:s25+$0xF0]  }
0x8e: {  	v1 =	vld [tilespmem:s25+$0xFFFFFF10]  }
0x8f: {  	v2 =	vld [tilespmem:s25+$0xFFFFFF20]  }
0x90: {  	v3 =	vld [tilespmem:s25+$0xFFFFFF30]  }
0x91: {  	v4 =	vld [tilespmem:s25+$0xFFFFFF40]  }
0x92: {  	v5 =	vld [tilespmem:s25+$0xFFFFFF50];
	v0 =	vmul.f32 $8.000000000e+00, v0  }
0x93: {  	v6 =	vld [tilespmem:s25+$0xFFFFFF60];
	v1 =	vmul.f32 $8.000000000e+00, v1  }
0x94: {  	v7 =	vld [tilespmem:s25+$0xFFFFFF70];
	v2 =	vmul.f32 $8.000000000e+00, v2;
	[tilespmem:s25+$0xF0] =	vst v0  }
0x95: {  	[tilespmem:s25+$0xFFFFFF10] =	vst v1;
	v0 =	vmul.f32 $8.000000000e+00, v3;
	v1 =	vld [tilespmem:s25+$0xFFFFFF80]  }
0x96: {  	[tilespmem:s25+$0xFFFFFF20] =	vst v2;
	v2 =	vmul.f32 $8.000000000e+00, v4;
	v3 =	vld [tilespmem:s25+$0xFFFFFF90]  }
0x97: {  	v4 =	vld [tilespmem:s25+$0xFFFFFFA0];
	[tilespmem:s25+$0xFFFFFF30] =	vst v0;
	v0 =	vmul.f32 $8.000000000e+00, v5  }
0x98: {  	[tilespmem:s25+$0xFFFFFF40] =	vst v2;
	v2 =	vmul.f32 $8.000000000e+00, v6;
	v5 =	vld [tilespmem:s25+$0xFFFFFFB0]  }
0x99: {  	v6 =	vld [tilespmem:s25+$0xFFFFFFC0];
	[tilespmem:s25+$0xFFFFFF50] =	vst v0;
	v0 =	vmul.f32 $8.000000000e+00, v7  }
0x9a: {  	[tilespmem:s25+$0xFFFFFF60] =	vst v2;
	v2 =	vld [tilespmem:s25+$0xFFFFFFD0];
	v1 =	vmul.f32 $8.000000000e+00, v1  }
0x9b: {  	[tilespmem:s25+$0xFFFFFF70] =	vst v0;
	v0 =	vmul.f32 $8.000000000e+00, v3;
	v3 =	vld [tilespmem:s25+$0xFFFFFFE0]  }
0x9c: {  	[tilespmem:s25+$0xFFFFFF80] =	vst v1;
	v1 =	vmul.f32 $8.000000000e+00, v4;
	v4 =	vld [tilespmem:s25+$0xFFFFFFF0]  }
0x9d: {  	[tilespmem:s25+$0xFFFFFF90] =	vst v0;
	v0 =	vmul.f32 $8.000000000e+00, v5;
	v5 =	vld [tilespmem:s25+$0x0]  }
0x9e: {  	[tilespmem:s25+$0xFFFFFFA0] =	vst v1;
	v1 =	vmul.f32 $8.000000000e+00, v6;
	v6 =	vld [tilespmem:s25+$0x10]  }
0x9f: {  	[tilespmem:s25+$0xFFFFFFB0] =	vst v0;
	v0 =	vmul.f32 $8.000000000e+00, v2;
	v2 =	vld [tilespmem:s25+$0x20]  }
0xa0: {  	[tilespmem:s25+$0xFFFFFFC0] =	vst v1;
	v1 =	vmul.f32 $8.000000000e+00, v3;
	v3 =	vld [tilespmem:s25+$0x30]  }
0xa1: {  	[tilespmem:s25+$0xFFFFFFD0] =	vst v0;
	v0 =	vmul.f32 $8.000000000e+00, v4;
	v4 =	vld [tilespmem:s25+$0x40]  }
0xa2: {  	[tilespmem:s25+$0xFFFFFFE0] =	vst v1;
	v1 =	vmul.f32 $8.000000000e+00, v5;
	v5 =	vld [tilespmem:s25+$0x50]  }
0xa3: {  	[tilespmem:s25+$0xFFFFFFF0] =	vst v0;
	v0 =	vmul.f32 $8.000000000e+00, v6;
	v6 =	vld [tilespmem:s25+$0x60]  }
0xa4: {  	[tilespmem:s25+$0x0] =	vst v1;
	v1 =	vmul.f32 $8.000000000e+00, v2;
	v2 =	vld [tilespmem:s25+$0x70]  }
0xa5: {  	[tilespmem:s25+$0x10] =	vst v0;
	v0 =	vmul.f32 $8.000000000e+00, v3;
	v3 =	vld [tilespmem:s25+$0x80]  }
0xa6: {  	[tilespmem:s25+$0x20] =	vst v1;
	v1 =	vmul.f32 $8.000000000e+00, v4;
	v4 =	vld [tilespmem:s25+$0x90]  }
0xa7: {  	v7 =	vld [tilespmem:s25+$0xA0];
	[tilespmem:s25+$0x30] =	vst v0;
	v5 =	vmul.f32 $8.000000000e+00, v5  }
0xa8: {  	v0 =	vld [tilespmem:s25+$0xB0];
	[tilespmem:s25+$0x40] =	vst v1;
	v6 =	vmul.f32 $8.000000000e+00, v6  }
0xa9: {  	v1 =	vld [tilespmem:s25+$0xC0];
	[tilespmem:s25+$0x50] =	vst v5;
	v5 =	vmul.f32 $8.000000000e+00, v2  }
0xaa: {  	v2 =	vld [tilespmem:s25+$0xD0];
	[tilespmem:s25+$0x60] =	vst v6;
	v6 =	vmul.f32 $8.000000000e+00, v3  }
0xab: {  	v3 =	vld [tilespmem:s25+$0xE0];
	[tilespmem:s25+$0x70] =	vst v5;
	v5 =	vmul.f32 $8.000000000e+00, v4  }
0xac: {  	s30 =	simm.s32 $0xBC00;
	s28 =	simm.s32 $0x0;
	v4 =	vld [tilespmem:s25+$0xFFFFFF00];
	[tilespmem:s25+$0x80] =	vst v6;
	v6 =	vmul.f32 $8.000000000e+00, v7  }
.LBB2_5:
0xad: {  	v7 =	vld [tilespmem:s30+$0xF0];
	s28 =	sadd.s32 $0x8, s28;
	[tilespmem:s25+$0x90] =	vst v5;
	v0 =	vmul.f32 $8.000000000e+00, v0  }
0xae: {  	v5 =	vld [tilespmem:s30+$0xFFFFFF10];
	p0 =	slt.u32 s28, $0x278;
	[tilespmem:s25+$0xA0] =	vst v6;
	v1 =	vmul.f32 $8.000000000e+00, v1  }
0xaf: {  	v6 =	vld [tilespmem:s30+$0xFFFFFF20];
	[tilespmem:s25+$0xB0] =	vst v0;
	v0 =	vmul.f32 $8.000000000e+00, v2  }
0xb0: {  	v2 =	vld [tilespmem:s30+$0xFFFFFF30];
	[tilespmem:s25+$0xC0] =	vst v1;
	v1 =	vmul.f32 $8.000000000e+00, v3  }
0xb1: {  	v3 =	vld [tilespmem:s30+$0xFFFFFF40];
	v4 =	vmul.f32 $8.000000000e+00, v4;
	[tilespmem:s25+$0xD0] =	vst v0  }
0xb2: {  	v0 =	vld [tilespmem:s30+$0xFFFFFF50];
	v7 =	vmul.f32 $8.000000000e+00, v7;
	[tilespmem:s25+$0xE0] =	vst v1  }
0xb3: {  	v1 =	vmul.f32 $8.000000000e+00, v5;
	v5 =	vld [tilespmem:s30+$0xFFFFFF60];
	[tilespmem:s25+$0xFFFFFF00] =	vst v4;
	s25 =	smov.u32 s30  }
0xb4: {  	v4 =	vmul.f32 $8.000000000e+00, v6;
	v6 =	vld [tilespmem:s30+$0xFFFFFF70];
	[tilespmem:s30+$0xF0] =	vst v7  }
0xb5: {  	[tilespmem:s30+$0xFFFFFF10] =	vst v1;
	v1 =	vmul.f32 $8.000000000e+00, v2;
	v2 =	vld [tilespmem:s30+$0xFFFFFF80]  }
0xb6: {  	[tilespmem:s30+$0xFFFFFF20] =	vst v4;
	v3 =	vmul.f32 $8.000000000e+00, v3;
	v4 =	vld [tilespmem:s30+$0xFFFFFF90]  }
0xb7: {  	[tilespmem:s30+$0xFFFFFF30] =	vst v1;
	v0 =	vmul.f32 $8.000000000e+00, v0;
	v1 =	vld [tilespmem:s30+$0xFFFFFFA0]  }
0xb8: {  	[tilespmem:s30+$0xFFFFFF40] =	vst v3;
	v3 =	vmul.f32 $8.000000000e+00, v5;
	v5 =	vld [tilespmem:s30+$0xFFFFFFB0]  }
0xb9: {  	[tilespmem:s30+$0xFFFFFF50] =	vst v0;
	v0 =	vmul.f32 $8.000000000e+00, v6;
	v6 =	vld [tilespmem:s30+$0xFFFFFFC0]  }
0xba: {  	[tilespmem:s30+$0xFFFFFF60] =	vst v3;
	v2 =	vmul.f32 $8.000000000e+00, v2;
	v3 =	vld [tilespmem:s30+$0xFFFFFFD0]  }
0xbb: {  	[tilespmem:s30+$0xFFFFFF70] =	vst v0;
	v0 =	vmul.f32 $8.000000000e+00, v4;
	v4 =	vld [tilespmem:s30+$0xFFFFFFE0]  }
0xbc: {  	[tilespmem:s30+$0xFFFFFF80] =	vst v2;
	v1 =	vmul.f32 $8.000000000e+00, v1;
	v2 =	vld [tilespmem:s30+$0xFFFFFFF0]  }
0xbd: {  	[tilespmem:s30+$0xFFFFFF90] =	vst v0;
	v0 =	vmul.f32 $8.000000000e+00, v5;
	v5 =	vld [tilespmem:s30+$0x0]  }
0xbe: {  	[tilespmem:s30+$0xFFFFFFA0] =	vst v1;
	v1 =	vmul.f32 $8.000000000e+00, v6;
	v6 =	vld [tilespmem:s30+$0x10]  }
0xbf: {  	[tilespmem:s30+$0xFFFFFFB0] =	vst v0;
	v0 =	vmul.f32 $8.000000000e+00, v3;
	v3 =	vld [tilespmem:s30+$0x20]  }
0xc0: {  	[tilespmem:s30+$0xFFFFFFC0] =	vst v1;
	v1 =	vmul.f32 $8.000000000e+00, v4;
	v4 =	vld [tilespmem:s30+$0x30]  }
0xc1: {  	[tilespmem:s30+$0xFFFFFFD0] =	vst v0;
	v0 =	vmul.f32 $8.000000000e+00, v2;
	v2 =	vld [tilespmem:s30+$0x40]  }
0xc2: {  	[tilespmem:s30+$0xFFFFFFE0] =	vst v1;
	v1 =	vmul.f32 $8.000000000e+00, v5;
	v5 =	vld [tilespmem:s30+$0x50]  }
0xc3: {  	[tilespmem:s30+$0xFFFFFFF0] =	vst v0;
	v0 =	vmul.f32 $8.000000000e+00, v6;
	v6 =	vld [tilespmem:s30+$0x60]  }
0xc4: {  	[tilespmem:s30+$0x0] =	vst v1;
	v1 =	vmul.f32 $8.000000000e+00, v3;
	v3 =	vld [tilespmem:s30+$0x70]  }
0xc5: {  	[tilespmem:s30+$0x10] =	vst v0;
	v0 =	vmul.f32 $8.000000000e+00, v4;
	v4 =	vld [tilespmem:s30+$0x80]  }
0xc6: {  	[tilespmem:s30+$0x20] =	vst v1;
	v1 =	vmul.f32 $8.000000000e+00, v2;
	v7 =	vld [tilespmem:s30+$0x90]  }
0xc7: {  	[tilespmem:s30+$0x30] =	vst v0;
	v2 =	vmul.f32 $8.000000000e+00, v5;
	v8 =	vld [tilespmem:s30+$0xA0]  }
.Ltmp1:
0xc8: {  	[tilespmem:s30+$0x40] =	vst v1;
	v5 =	vmul.f32 $8.000000000e+00, v6;
	v0 =	vld [tilespmem:s30+$0xB0];
	(pc) =	sbr.rel @p0 .LBB2_5-.Ltmp1, $4  }
0xc9: {  	[tilespmem:s30+$0x50] =	vst v2;
	v3 =	vmul.f32 $8.000000000e+00, v3;
	v1 =	vld [tilespmem:s30+$0xC0]  }
0xca: {  	[tilespmem:s30+$0x60] =	vst v5;
	v6 =	vmul.f32 $8.000000000e+00, v4;
	v2 =	vld [tilespmem:s30+$0xD0]  }
0xcb: {  	[tilespmem:s30+$0x70] =	vst v3;
	v5 =	vmul.f32 $8.000000000e+00, v7;
	v3 =	vld [tilespmem:s30+$0xE0]  }
0xcc: {  	s30 =	sadd.s32 $0x200, s30;
	v4 =	vld [tilespmem:s25+$0xFFFFFF00];
	[tilespmem:s25+$0x80] =	vst v6;
	v6 =	vmul.f32 $8.000000000e+00, v8  }
0xcd: {  	[tilespmem:s25+$0x90] =	vst v5;
	v0 =	vmul.f32 $8.000000000e+00, v0  }
0xce: {  	[tilespmem:s25+$0xA0] =	vst v6;
	v1 =	vmul.f32 $8.000000000e+00, v1  }
0xcf: {  	[tilespmem:s25+$0xB0] =	vst v0;
	v61 =	vmul.f32 $8.000000000e+00, v2  }
0xd0: {  	s23 =	sadd.s32 s23, s7;
	[tilespmem:s25+$0xC0] =	vst v1;
	v62 =	vmul.f32 $8.000000000e+00, v3  }
0xd1: {  	s23 =	sshll.u32 s23, $0x3;
	v63 =	vmul.f32 $8.000000000e+00, v4;
	[tilespmem:s25+$0xD0] =	vst v61  }
0xd2: {  	s23 =	sand.u32 $0x1FFFFC00, s23;
	[tilespmem:s25+$0xE0] =	vst v62  }
0xd3: {  	s28 =	smul.u32 $0x1400, s21;
	s23 =	sadd.s32 s2, s23;
	[tilespmem:s25+$0xFFFFFF00] =	vst v63  }
0xd4: {  	[hbm4b:s23+s3] =	stream.linear.scatter [tilespmem:s22], [sflag:$0x4], $0xA000, $0x38;
	[tilespmem:$0x15900] =	vst v63  }
0xd5: {  	_ =	swait.ge [sflag:s15], $0xA000  }
0xd6: {  	s23 =	sshra.s32 s28, $0x2;
	[sflag:s15] =	ssyncset.done $0x0  }
0xd7: {  	s30 =	sadd.s32 $0x500, s23;
	[sflag:s15] =	ssyncadd.s32 $0xFFFF6000  }
0xd8: {  	[tilespmem:s13], [sflag:$0x1] =	stream.indirect.gather [hbm4b:s5+s12], $0x40, s30, s12, $0xb8;
	[tilespmem:$0x15900] =	vst v63  }
0xd9: {  	s28 =	sadd.s32 $0x580, s23  }
0xda: {  	[tilespmem:s14], [sflag:$0x1] =	stream.indirect.gather [hbm4b:s5+s12], $0x40, s28, s12, $0xb8;
	[tilespmem:$0x15900] =	vst v63  }
0xdb: {  	s30 =	sadd.s32 $0x600, s23  }
0xdc: {  	[tilespmem:s16], [sflag:$0x1] =	stream.indirect.gather [hbm4b:s5+s12], $0x40, s30, s12, $0xb8;
	[tilespmem:$0x15900] =	vst v63  }
0xdd: {  	s28 =	sadd.s32 $0x680, s23  }
0xde: {  	[tilespmem:s18], [sflag:$0x1] =	stream.indirect.gather [hbm4b:s5+s12], $0x40, s28, s12, $0xb8;
	[tilespmem:$0x15900] =	vst v63  }
0xdf: {  	s30 =	sadd.s32 $0x700, s23  }
0xe0: {  	[tilespmem:s20], [sflag:$0x1] =	stream.indirect.gather [hbm4b:s5+s12], $0x40, s30, s12, $0xb8;
	[tilespmem:$0x15900] =	vst v63  }
0xe1: {  	_ =	swait.ge [sflag:s17], $0xA000  }
0xe2: {  	[sflag:s17] =	ssyncset.done $0x0  }
0xe3: {  	s28 =	sadd.s32 $0x780, s23;
	[sflag:s17] =	ssyncadd.s32 $0xFFFF6000  }
0xe4: {  	[tilespmem:s22], [sflag:$0x2] =	stream.indirect.gather [hbm4b:s5+s12], $0x40, s28, s12, $0xb8;
	[tilespmem:$0x15900] =	vst v63  }
0xe5: {  	s21 =	sadd.s32 $0x1, s21;
	s30 =	sadd.s32 $0x800, s23  }
0xe6: {  	[tilespmem:s24], [sflag:$0x2] =	stream.indirect.gather [hbm4b:s5+s12], $0x40, s30, s12, $0xb8;
	[tilespmem:$0x15900] =	vst v63  }
0xe7: {  	p0 =	sne.s32 s21, $0x4;
	s28 =	sadd.s32 $0x880, s23  }
0xe8: {  	[tilespmem:s26], [sflag:$0x2] =	stream.indirect.gather [hbm4b:s5+s12], $0x40, s28, s12, $0xb8;
	[tilespmem:$0x15900] =	vst v63  }
.Ltmp2:
0xe9: {  	_ = 	snop;
	(pc) =	sbr.rel @p0 .LBB2_2-.Ltmp2, $4  }
0xea: {  	s30 =	sadd.s32 $0x900, s23  }
0xeb: {  	[tilespmem:s29], [sflag:$0x2] =	stream.indirect.gather [hbm4b:s5+s12], $0x40, s30, s12, $0xb8;
	[tilespmem:$0x15900] =	vst v63  }
0xec: {  	s23 =	sadd.s32 $0x980, s23  }
0xed: {  	[tilespmem:s31], [sflag:$0x2] =	stream.indirect.gather [hbm4b:s5+s12], $0x40, s23, s12, $0xb8;
	[tilespmem:$0x15900] =	vst v63  }
0xee: {  	_ =	swait.ge [sflag:s1], $0x2000  }
0xef: {  	[sflag:s1] =	ssyncset.done $0x0  }
0xf0: {  	[sflag:s1] =	ssyncadd.s32 $0xFFFFE000  }
0xf1: {  	_ =	swait.ge [sflag:s1], $0x2000  }
0xf2: {  	[sflag:s1] =	ssyncset.done $0x0  }
0xf3: {  	[sflag:s1] =	ssyncadd.s32 $0xFFFFE000  }
0xf4: {  	_ =	swait.ge [sflag:s1], $0x2000  }
0xf5: {  	[sflag:s1] =	ssyncset.done $0x0  }
0xf6: {  	[sflag:s1] =	ssyncadd.s32 $0xFFFFE000  }
0xf7: {  	_ =	swait.ge [sflag:s1], $0x2000  }
0xf8: {  	[sflag:s1] =	ssyncset.done $0x0  }
0xf9: {  	[sflag:s1] =	ssyncadd.s32 $0xFFFFE000  }
0xfa: {  	_ =	swait.ge [sflag:s1], $0x2000  }
0xfb: {  	[sflag:s1] =	ssyncset.done $0x0  }
0xfc: {  	s21 =	simm.s32 $0x1A00;
	[sflag:s1] =	ssyncadd.s32 $0xFFFFE000  }
0xfd: {  	v0 =	vld [tilespmem:s21+$0xF0]  }
0xfe: {  	v1 =	vld [tilespmem:s21+$0xFFFFFF10]  }
0xff: {  	v2 =	vld [tilespmem:s21+$0xFFFFFF20]  }
0x100: {  	v3 =	vld [tilespmem:s21+$0xFFFFFF30]  }
0x101: {  	v4 =	vld [tilespmem:s21+$0xFFFFFF40]  }
0x102: {  	v5 =	vld [tilespmem:s21+$0xFFFFFF50];
	v0 =	vmul.f32 $8.000000000e+00, v0  }
0x103: {  	v6 =	vld [tilespmem:s21+$0xFFFFFF60];
	v1 =	vmul.f32 $8.000000000e+00, v1  }
0x104: {  	v7 =	vld [tilespmem:s21+$0xFFFFFF70];
	v2 =	vmul.f32 $8.000000000e+00, v2;
	[tilespmem:s21+$0xF0] =	vst v0  }
0x105: {  	[tilespmem:s21+$0xFFFFFF10] =	vst v1;
	v0 =	vmul.f32 $8.000000000e+00, v3;
	v1 =	vld [tilespmem:s21+$0xFFFFFF80]  }
0x106: {  	[tilespmem:s21+$0xFFFFFF20] =	vst v2;
	v2 =	vmul.f32 $8.000000000e+00, v4;
	v3 =	vld [tilespmem:s21+$0xFFFFFF90]  }
0x107: {  	v4 =	vld [tilespmem:s21+$0xFFFFFFA0];
	[tilespmem:s21+$0xFFFFFF30] =	vst v0;
	v0 =	vmul.f32 $8.000000000e+00, v5  }
0x108: {  	[tilespmem:s21+$0xFFFFFF40] =	vst v2;
	v2 =	vmul.f32 $8.000000000e+00, v6;
	v5 =	vld [tilespmem:s21+$0xFFFFFFB0]  }
0x109: {  	v6 =	vld [tilespmem:s21+$0xFFFFFFC0];
	[tilespmem:s21+$0xFFFFFF50] =	vst v0;
	v0 =	vmul.f32 $8.000000000e+00, v7  }
0x10a: {  	[tilespmem:s21+$0xFFFFFF60] =	vst v2;
	v2 =	vld [tilespmem:s21+$0xFFFFFFD0];
	v1 =	vmul.f32 $8.000000000e+00, v1  }
0x10b: {  	[tilespmem:s21+$0xFFFFFF70] =	vst v0;
	v0 =	vmul.f32 $8.000000000e+00, v3;
	v3 =	vld [tilespmem:s21+$0xFFFFFFE0]  }
0x10c: {  	[tilespmem:s21+$0xFFFFFF80] =	vst v1;
	v1 =	vmul.f32 $8.000000000e+00, v4;
	v4 =	vld [tilespmem:s21+$0xFFFFFFF0]  }
0x10d: {  	[tilespmem:s21+$0xFFFFFF90] =	vst v0;
	v0 =	vmul.f32 $8.000000000e+00, v5;
	v5 =	vld [tilespmem:s21+$0x0]  }
0x10e: {  	[tilespmem:s21+$0xFFFFFFA0] =	vst v1;
	v1 =	vmul.f32 $8.000000000e+00, v6;
	v6 =	vld [tilespmem:s21+$0x10]  }
0x10f: {  	[tilespmem:s21+$0xFFFFFFB0] =	vst v0;
	v0 =	vmul.f32 $8.000000000e+00, v2;
	v2 =	vld [tilespmem:s21+$0x20]  }
0x110: {  	[tilespmem:s21+$0xFFFFFFC0] =	vst v1;
	v1 =	vmul.f32 $8.000000000e+00, v3;
	v3 =	vld [tilespmem:s21+$0x30]  }
0x111: {  	[tilespmem:s21+$0xFFFFFFD0] =	vst v0;
	v0 =	vmul.f32 $8.000000000e+00, v4;
	v4 =	vld [tilespmem:s21+$0x40]  }
0x112: {  	[tilespmem:s21+$0xFFFFFFE0] =	vst v1;
	v1 =	vmul.f32 $8.000000000e+00, v5;
	v5 =	vld [tilespmem:s21+$0x50]  }
0x113: {  	[tilespmem:s21+$0xFFFFFFF0] =	vst v0;
	v0 =	vmul.f32 $8.000000000e+00, v6;
	v6 =	vld [tilespmem:s21+$0x60]  }
0x114: {  	[tilespmem:s21+$0x0] =	vst v1;
	v1 =	vmul.f32 $8.000000000e+00, v2;
	v2 =	vld [tilespmem:s21+$0x70]  }
0x115: {  	[tilespmem:s21+$0x10] =	vst v0;
	v0 =	vmul.f32 $8.000000000e+00, v3;
	v3 =	vld [tilespmem:s21+$0x80]  }
0x116: {  	[tilespmem:s21+$0x20] =	vst v1;
	v1 =	vmul.f32 $8.000000000e+00, v4;
	v4 =	vld [tilespmem:s21+$0x90]  }
0x117: {  	v7 =	vld [tilespmem:s21+$0xA0];
	[tilespmem:s21+$0x30] =	vst v0;
	v5 =	vmul.f32 $8.000000000e+00, v5  }
0x118: {  	v0 =	vld [tilespmem:s21+$0xB0];
	[tilespmem:s21+$0x40] =	vst v1;
	v6 =	vmul.f32 $8.000000000e+00, v6  }
0x119: {  	v1 =	vld [tilespmem:s21+$0xC0];
	[tilespmem:s21+$0x50] =	vst v5;
	v5 =	vmul.f32 $8.000000000e+00, v2  }
0x11a: {  	v2 =	vld [tilespmem:s21+$0xD0];
	[tilespmem:s21+$0x60] =	vst v6;
	v6 =	vmul.f32 $8.000000000e+00, v3  }
0x11b: {  	v3 =	vld [tilespmem:s21+$0xE0];
	[tilespmem:s21+$0x70] =	vst v5;
	v5 =	vmul.f32 $8.000000000e+00, v4  }
0x11c: {  	s23 =	simm.s32 $0x0;
	s25 =	simm.s32 $0x1C00;
	v4 =	vld [tilespmem:s21+$0xFFFFFF00];
	[tilespmem:s21+$0x80] =	vst v6;
	v6 =	vmul.f32 $8.000000000e+00, v7  }
.LBB2_8:
0x11d: {  	v7 =	vld [tilespmem:s25+$0xF0];
	s23 =	sadd.s32 $0x8, s23;
	[tilespmem:s21+$0x90] =	vst v5;
	v0 =	vmul.f32 $8.000000000e+00, v0  }
0x11e: {  	v5 =	vld [tilespmem:s25+$0xFFFFFF10];
	p0 =	slt.u32 s23, $0x278;
	[tilespmem:s21+$0xA0] =	vst v6;
	v1 =	vmul.f32 $8.000000000e+00, v1  }
0x11f: {  	v6 =	vld [tilespmem:s25+$0xFFFFFF20];
	[tilespmem:s21+$0xB0] =	vst v0;
	v0 =	vmul.f32 $8.000000000e+00, v2  }
0x120: {  	v2 =	vld [tilespmem:s25+$0xFFFFFF30];
	[tilespmem:s21+$0xC0] =	vst v1;
	v1 =	vmul.f32 $8.000000000e+00, v3  }
0x121: {  	v3 =	vld [tilespmem:s25+$0xFFFFFF40];
	v4 =	vmul.f32 $8.000000000e+00, v4;
	[tilespmem:s21+$0xD0] =	vst v0  }
0x122: {  	v0 =	vld [tilespmem:s25+$0xFFFFFF50];
	v7 =	vmul.f32 $8.000000000e+00, v7;
	[tilespmem:s21+$0xE0] =	vst v1  }
0x123: {  	v1 =	vmul.f32 $8.000000000e+00, v5;
	v5 =	vld [tilespmem:s25+$0xFFFFFF60];
	[tilespmem:s21+$0xFFFFFF00] =	vst v4;
	s21 =	smov.u32 s25  }
0x124: {  	v4 =	vmul.f32 $8.000000000e+00, v6;
	v6 =	vld [tilespmem:s25+$0xFFFFFF70];
	[tilespmem:s25+$0xF0] =	vst v7  }
0x125: {  	[tilespmem:s25+$0xFFFFFF10] =	vst v1;
	v1 =	vmul.f32 $8.000000000e+00, v2;
	v2 =	vld [tilespmem:s25+$0xFFFFFF80]  }
0x126: {  	[tilespmem:s25+$0xFFFFFF20] =	vst v4;
	v3 =	vmul.f32 $8.000000000e+00, v3;
	v4 =	vld [tilespmem:s25+$0xFFFFFF90]  }
0x127: {  	[tilespmem:s25+$0xFFFFFF30] =	vst v1;
	v0 =	vmul.f32 $8.000000000e+00, v0;
	v1 =	vld [tilespmem:s25+$0xFFFFFFA0]  }
0x128: {  	[tilespmem:s25+$0xFFFFFF40] =	vst v3;
	v3 =	vmul.f32 $8.000000000e+00, v5;
	v5 =	vld [tilespmem:s25+$0xFFFFFFB0]  }
0x129: {  	[tilespmem:s25+$0xFFFFFF50] =	vst v0;
	v0 =	vmul.f32 $8.000000000e+00, v6;
	v6 =	vld [tilespmem:s25+$0xFFFFFFC0]  }
0x12a: {  	[tilespmem:s25+$0xFFFFFF60] =	vst v3;
	v2 =	vmul.f32 $8.000000000e+00, v2;
	v3 =	vld [tilespmem:s25+$0xFFFFFFD0]  }
0x12b: {  	[tilespmem:s25+$0xFFFFFF70] =	vst v0;
	v0 =	vmul.f32 $8.000000000e+00, v4;
	v4 =	vld [tilespmem:s25+$0xFFFFFFE0]  }
0x12c: {  	[tilespmem:s25+$0xFFFFFF80] =	vst v2;
	v1 =	vmul.f32 $8.000000000e+00, v1;
	v2 =	vld [tilespmem:s25+$0xFFFFFFF0]  }
0x12d: {  	[tilespmem:s25+$0xFFFFFF90] =	vst v0;
	v0 =	vmul.f32 $8.000000000e+00, v5;
	v5 =	vld [tilespmem:s25+$0x0]  }
0x12e: {  	[tilespmem:s25+$0xFFFFFFA0] =	vst v1;
	v1 =	vmul.f32 $8.000000000e+00, v6;
	v6 =	vld [tilespmem:s25+$0x10]  }
0x12f: {  	[tilespmem:s25+$0xFFFFFFB0] =	vst v0;
	v0 =	vmul.f32 $8.000000000e+00, v3;
	v3 =	vld [tilespmem:s25+$0x20]  }
0x130: {  	[tilespmem:s25+$0xFFFFFFC0] =	vst v1;
	v1 =	vmul.f32 $8.000000000e+00, v4;
	v4 =	vld [tilespmem:s25+$0x30]  }
0x131: {  	[tilespmem:s25+$0xFFFFFFD0] =	vst v0;
	v0 =	vmul.f32 $8.000000000e+00, v2;
	v2 =	vld [tilespmem:s25+$0x40]  }
0x132: {  	[tilespmem:s25+$0xFFFFFFE0] =	vst v1;
	v1 =	vmul.f32 $8.000000000e+00, v5;
	v5 =	vld [tilespmem:s25+$0x50]  }
0x133: {  	[tilespmem:s25+$0xFFFFFFF0] =	vst v0;
	v0 =	vmul.f32 $8.000000000e+00, v6;
	v6 =	vld [tilespmem:s25+$0x60]  }
0x134: {  	[tilespmem:s25+$0x0] =	vst v1;
	v1 =	vmul.f32 $8.000000000e+00, v3;
	v3 =	vld [tilespmem:s25+$0x70]  }
0x135: {  	[tilespmem:s25+$0x10] =	vst v0;
	v0 =	vmul.f32 $8.000000000e+00, v4;
	v4 =	vld [tilespmem:s25+$0x80]  }
0x136: {  	[tilespmem:s25+$0x20] =	vst v1;
	v1 =	vmul.f32 $8.000000000e+00, v2;
	v7 =	vld [tilespmem:s25+$0x90]  }
0x137: {  	[tilespmem:s25+$0x30] =	vst v0;
	v2 =	vmul.f32 $8.000000000e+00, v5;
	v8 =	vld [tilespmem:s25+$0xA0]  }
.Ltmp3:
0x138: {  	[tilespmem:s25+$0x40] =	vst v1;
	v5 =	vmul.f32 $8.000000000e+00, v6;
	v0 =	vld [tilespmem:s25+$0xB0];
	(pc) =	sbr.rel @p0 .LBB2_8-.Ltmp3, $4  }
0x139: {  	[tilespmem:s25+$0x50] =	vst v2;
	v3 =	vmul.f32 $8.000000000e+00, v3;
	v1 =	vld [tilespmem:s25+$0xC0]  }
0x13a: {  	[tilespmem:s25+$0x60] =	vst v5;
	v6 =	vmul.f32 $8.000000000e+00, v4;
	v2 =	vld [tilespmem:s25+$0xD0]  }
0x13b: {  	[tilespmem:s25+$0x70] =	vst v3;
	v5 =	vmul.f32 $8.000000000e+00, v7;
	v3 =	vld [tilespmem:s25+$0xE0]  }
0x13c: {  	s25 =	sadd.s32 $0x200, s25;
	v4 =	vld [tilespmem:s21+$0xFFFFFF00];
	[tilespmem:s21+$0x80] =	vst v6;
	v6 =	vmul.f32 $8.000000000e+00, v8  }
0x13d: {  	[tilespmem:s21+$0x90] =	vst v5;
	v0 =	vmul.f32 $8.000000000e+00, v0  }
0x13e: {  	[tilespmem:s21+$0xA0] =	vst v6;
	v1 =	vmul.f32 $8.000000000e+00, v1  }
0x13f: {  	[tilespmem:s21+$0xB0] =	vst v0;
	v0 =	vmul.f32 $8.000000000e+00, v2  }
0x140: {  	[tilespmem:s21+$0xC0] =	vst v1;
	v1 =	vmul.f32 $8.000000000e+00, v3  }
0x141: {  	v2 =	vmul.f32 $8.000000000e+00, v4;
	[tilespmem:s21+$0xD0] =	vst v0  }
0x142: {  	[tilespmem:s21+$0xE0] =	vst v1  }
0x143: {  	[tilespmem:s21+$0xFFFFFF00] =	vst v2  }
0x144: {  	[hbm4b:s8+s3] =	stream.linear.scatter [tilespmem:s13], [sflag:$0x3], $0xA000, $0x38;
	[tilespmem:$0x15900] =	vst v63  }
0x145: {  	_ =	swait.ge [sflag:s0], $0x2000  }
0x146: {  	[sflag:s0] =	ssyncset.done $0x0  }
0x147: {  	[sflag:s0] =	ssyncadd.s32 $0xFFFFE000  }
0x148: {  	_ =	swait.ge [sflag:s0], $0x2000  }
0x149: {  	[sflag:s0] =	ssyncset.done $0x0  }
0x14a: {  	[sflag:s0] =	ssyncadd.s32 $0xFFFFE000  }
0x14b: {  	_ =	swait.ge [sflag:s0], $0x2000  }
0x14c: {  	[sflag:s0] =	ssyncset.done $0x0  }
0x14d: {  	[sflag:s0] =	ssyncadd.s32 $0xFFFFE000  }
0x14e: {  	_ =	swait.ge [sflag:s0], $0x2000  }
0x14f: {  	[sflag:s0] =	ssyncset.done $0x0  }
0x150: {  	[sflag:s0] =	ssyncadd.s32 $0xFFFFE000  }
0x151: {  	_ =	swait.ge [sflag:s0], $0x2000  }
0x152: {  	[sflag:s0] =	ssyncset.done $0x0  }
0x153: {  	s21 =	simm.s32 $0xBA00;
	[sflag:s0] =	ssyncadd.s32 $0xFFFFE000  }
0x154: {  	v0 =	vld [tilespmem:s21+$0xF0]  }
0x155: {  	v1 =	vld [tilespmem:s21+$0xFFFFFF10]  }
0x156: {  	v2 =	vld [tilespmem:s21+$0xFFFFFF20]  }
0x157: {  	v3 =	vld [tilespmem:s21+$0xFFFFFF30]  }
0x158: {  	v4 =	vld [tilespmem:s21+$0xFFFFFF40]  }
0x159: {  	v5 =	vld [tilespmem:s21+$0xFFFFFF50];
	v0 =	vmul.f32 $8.000000000e+00, v0  }
0x15a: {  	v6 =	vld [tilespmem:s21+$0xFFFFFF60];
	v1 =	vmul.f32 $8.000000000e+00, v1  }
0x15b: {  	v7 =	vld [tilespmem:s21+$0xFFFFFF70];
	v2 =	vmul.f32 $8.000000000e+00, v2;
	[tilespmem:s21+$0xF0] =	vst v0  }
0x15c: {  	[tilespmem:s21+$0xFFFFFF10] =	vst v1;
	v0 =	vmul.f32 $8.000000000e+00, v3;
	v1 =	vld [tilespmem:s21+$0xFFFFFF80]  }
0x15d: {  	[tilespmem:s21+$0xFFFFFF20] =	vst v2;
	v2 =	vmul.f32 $8.000000000e+00, v4;
	v3 =	vld [tilespmem:s21+$0xFFFFFF90]  }
0x15e: {  	v4 =	vld [tilespmem:s21+$0xFFFFFFA0];
	[tilespmem:s21+$0xFFFFFF30] =	vst v0;
	v0 =	vmul.f32 $8.000000000e+00, v5  }
0x15f: {  	[tilespmem:s21+$0xFFFFFF40] =	vst v2;
	v2 =	vmul.f32 $8.000000000e+00, v6;
	v5 =	vld [tilespmem:s21+$0xFFFFFFB0]  }
0x160: {  	v6 =	vld [tilespmem:s21+$0xFFFFFFC0];
	[tilespmem:s21+$0xFFFFFF50] =	vst v0;
	v0 =	vmul.f32 $8.000000000e+00, v7  }
0x161: {  	[tilespmem:s21+$0xFFFFFF60] =	vst v2;
	v2 =	vld [tilespmem:s21+$0xFFFFFFD0];
	v1 =	vmul.f32 $8.000000000e+00, v1  }
0x162: {  	[tilespmem:s21+$0xFFFFFF70] =	vst v0;
	v0 =	vmul.f32 $8.000000000e+00, v3;
	v3 =	vld [tilespmem:s21+$0xFFFFFFE0]  }
0x163: {  	[tilespmem:s21+$0xFFFFFF80] =	vst v1;
	v1 =	vmul.f32 $8.000000000e+00, v4;
	v4 =	vld [tilespmem:s21+$0xFFFFFFF0]  }
0x164: {  	[tilespmem:s21+$0xFFFFFF90] =	vst v0;
	v0 =	vmul.f32 $8.000000000e+00, v5;
	v5 =	vld [tilespmem:s21+$0x0]  }
0x165: {  	[tilespmem:s21+$0xFFFFFFA0] =	vst v1;
	v1 =	vmul.f32 $8.000000000e+00, v6;
	v6 =	vld [tilespmem:s21+$0x10]  }
0x166: {  	[tilespmem:s21+$0xFFFFFFB0] =	vst v0;
	v0 =	vmul.f32 $8.000000000e+00, v2;
	v2 =	vld [tilespmem:s21+$0x20]  }
0x167: {  	[tilespmem:s21+$0xFFFFFFC0] =	vst v1;
	v1 =	vmul.f32 $8.000000000e+00, v3;
	v3 =	vld [tilespmem:s21+$0x30]  }
0x168: {  	[tilespmem:s21+$0xFFFFFFD0] =	vst v0;
	v0 =	vmul.f32 $8.000000000e+00, v4;
	v4 =	vld [tilespmem:s21+$0x40]  }
0x169: {  	[tilespmem:s21+$0xFFFFFFE0] =	vst v1;
	v1 =	vmul.f32 $8.000000000e+00, v5;
	v5 =	vld [tilespmem:s21+$0x50]  }
0x16a: {  	[tilespmem:s21+$0xFFFFFFF0] =	vst v0;
	v0 =	vmul.f32 $8.000000000e+00, v6;
	v6 =	vld [tilespmem:s21+$0x60]  }
0x16b: {  	[tilespmem:s21+$0x0] =	vst v1;
	v1 =	vmul.f32 $8.000000000e+00, v2;
	v2 =	vld [tilespmem:s21+$0x70]  }
0x16c: {  	[tilespmem:s21+$0x10] =	vst v0;
	v0 =	vmul.f32 $8.000000000e+00, v3;
	v3 =	vld [tilespmem:s21+$0x80]  }
0x16d: {  	[tilespmem:s21+$0x20] =	vst v1;
	v1 =	vmul.f32 $8.000000000e+00, v4;
	v4 =	vld [tilespmem:s21+$0x90]  }
0x16e: {  	v7 =	vld [tilespmem:s21+$0xA0];
	[tilespmem:s21+$0x30] =	vst v0;
	v5 =	vmul.f32 $8.000000000e+00, v5  }
0x16f: {  	v0 =	vld [tilespmem:s21+$0xB0];
	[tilespmem:s21+$0x40] =	vst v1;
	v6 =	vmul.f32 $8.000000000e+00, v6  }
0x170: {  	v1 =	vld [tilespmem:s21+$0xC0];
	[tilespmem:s21+$0x50] =	vst v5;
	v5 =	vmul.f32 $8.000000000e+00, v2  }
0x171: {  	v2 =	vld [tilespmem:s21+$0xD0];
	[tilespmem:s21+$0x60] =	vst v6;
	v6 =	vmul.f32 $8.000000000e+00, v3  }
0x172: {  	v3 =	vld [tilespmem:s21+$0xE0];
	[tilespmem:s21+$0x70] =	vst v5;
	v5 =	vmul.f32 $8.000000000e+00, v4  }
0x173: {  	s23 =	simm.s32 $0x0;
	s25 =	simm.s32 $0xBC00;
	v4 =	vld [tilespmem:s21+$0xFFFFFF00];
	[tilespmem:s21+$0x80] =	vst v6;
	v6 =	vmul.f32 $8.000000000e+00, v7  }
.LBB2_10:
0x174: {  	v7 =	vld [tilespmem:s25+$0xF0];
	s23 =	sadd.s32 $0x8, s23;
	[tilespmem:s21+$0x90] =	vst v5;
	v0 =	vmul.f32 $8.000000000e+00, v0  }
0x175: {  	v5 =	vld [tilespmem:s25+$0xFFFFFF10];
	p0 =	slt.u32 s23, $0x278;
	[tilespmem:s21+$0xA0] =	vst v6;
	v1 =	vmul.f32 $8.000000000e+00, v1  }
0x176: {  	v6 =	vld [tilespmem:s25+$0xFFFFFF20];
	[tilespmem:s21+$0xB0] =	vst v0;
	v0 =	vmul.f32 $8.000000000e+00, v2  }
0x177: {  	v2 =	vld [tilespmem:s25+$0xFFFFFF30];
	[tilespmem:s21+$0xC0] =	vst v1;
	v1 =	vmul.f32 $8.000000000e+00, v3  }
0x178: {  	v3 =	vld [tilespmem:s25+$0xFFFFFF40];
	v4 =	vmul.f32 $8.000000000e+00, v4;
	[tilespmem:s21+$0xD0] =	vst v0  }
0x179: {  	v0 =	vld [tilespmem:s25+$0xFFFFFF50];
	v7 =	vmul.f32 $8.000000000e+00, v7;
	[tilespmem:s21+$0xE0] =	vst v1  }
0x17a: {  	v1 =	vmul.f32 $8.000000000e+00, v5;
	v5 =	vld [tilespmem:s25+$0xFFFFFF60];
	[tilespmem:s21+$0xFFFFFF00] =	vst v4;
	s21 =	smov.u32 s25  }
0x17b: {  	v4 =	vmul.f32 $8.000000000e+00, v6;
	v6 =	vld [tilespmem:s25+$0xFFFFFF70];
	[tilespmem:s25+$0xF0] =	vst v7  }
0x17c: {  	[tilespmem:s25+$0xFFFFFF10] =	vst v1;
	v1 =	vmul.f32 $8.000000000e+00, v2;
	v2 =	vld [tilespmem:s25+$0xFFFFFF80]  }
0x17d: {  	[tilespmem:s25+$0xFFFFFF20] =	vst v4;
	v3 =	vmul.f32 $8.000000000e+00, v3;
	v4 =	vld [tilespmem:s25+$0xFFFFFF90]  }
0x17e: {  	[tilespmem:s25+$0xFFFFFF30] =	vst v1;
	v0 =	vmul.f32 $8.000000000e+00, v0;
	v1 =	vld [tilespmem:s25+$0xFFFFFFA0]  }
0x17f: {  	[tilespmem:s25+$0xFFFFFF40] =	vst v3;
	v3 =	vmul.f32 $8.000000000e+00, v5;
	v5 =	vld [tilespmem:s25+$0xFFFFFFB0]  }
0x180: {  	[tilespmem:s25+$0xFFFFFF50] =	vst v0;
	v0 =	vmul.f32 $8.000000000e+00, v6;
	v6 =	vld [tilespmem:s25+$0xFFFFFFC0]  }
0x181: {  	[tilespmem:s25+$0xFFFFFF60] =	vst v3;
	v2 =	vmul.f32 $8.000000000e+00, v2;
	v3 =	vld [tilespmem:s25+$0xFFFFFFD0]  }
0x182: {  	[tilespmem:s25+$0xFFFFFF70] =	vst v0;
	v0 =	vmul.f32 $8.000000000e+00, v4;
	v4 =	vld [tilespmem:s25+$0xFFFFFFE0]  }
0x183: {  	[tilespmem:s25+$0xFFFFFF80] =	vst v2;
	v1 =	vmul.f32 $8.000000000e+00, v1;
	v2 =	vld [tilespmem:s25+$0xFFFFFFF0]  }
0x184: {  	[tilespmem:s25+$0xFFFFFF90] =	vst v0;
	v0 =	vmul.f32 $8.000000000e+00, v5;
	v5 =	vld [tilespmem:s25+$0x0]  }
0x185: {  	[tilespmem:s25+$0xFFFFFFA0] =	vst v1;
	v1 =	vmul.f32 $8.000000000e+00, v6;
	v6 =	vld [tilespmem:s25+$0x10]  }
0x186: {  	[tilespmem:s25+$0xFFFFFFB0] =	vst v0;
	v0 =	vmul.f32 $8.000000000e+00, v3;
	v3 =	vld [tilespmem:s25+$0x20]  }
0x187: {  	[tilespmem:s25+$0xFFFFFFC0] =	vst v1;
	v1 =	vmul.f32 $8.000000000e+00, v4;
	v4 =	vld [tilespmem:s25+$0x30]  }
0x188: {  	[tilespmem:s25+$0xFFFFFFD0] =	vst v0;
	v0 =	vmul.f32 $8.000000000e+00, v2;
	v2 =	vld [tilespmem:s25+$0x40]  }
0x189: {  	[tilespmem:s25+$0xFFFFFFE0] =	vst v1;
	v1 =	vmul.f32 $8.000000000e+00, v5;
	v5 =	vld [tilespmem:s25+$0x50]  }
0x18a: {  	[tilespmem:s25+$0xFFFFFFF0] =	vst v0;
	v0 =	vmul.f32 $8.000000000e+00, v6;
	v6 =	vld [tilespmem:s25+$0x60]  }
0x18b: {  	[tilespmem:s25+$0x0] =	vst v1;
	v1 =	vmul.f32 $8.000000000e+00, v3;
	v3 =	vld [tilespmem:s25+$0x70]  }
0x18c: {  	[tilespmem:s25+$0x10] =	vst v0;
	v0 =	vmul.f32 $8.000000000e+00, v4;
	v4 =	vld [tilespmem:s25+$0x80]  }
0x18d: {  	[tilespmem:s25+$0x20] =	vst v1;
	v1 =	vmul.f32 $8.000000000e+00, v2;
	v7 =	vld [tilespmem:s25+$0x90]  }
0x18e: {  	[tilespmem:s25+$0x30] =	vst v0;
	v2 =	vmul.f32 $8.000000000e+00, v5;
	v8 =	vld [tilespmem:s25+$0xA0]  }
.Ltmp4:
0x18f: {  	[tilespmem:s25+$0x40] =	vst v1;
	v5 =	vmul.f32 $8.000000000e+00, v6;
	v0 =	vld [tilespmem:s25+$0xB0];
	(pc) =	sbr.rel @p0 .LBB2_10-.Ltmp4, $4  }
0x190: {  	[tilespmem:s25+$0x50] =	vst v2;
	v3 =	vmul.f32 $8.000000000e+00, v3;
	v1 =	vld [tilespmem:s25+$0xC0]  }
0x191: {  	[tilespmem:s25+$0x60] =	vst v5;
	v6 =	vmul.f32 $8.000000000e+00, v4;
	v2 =	vld [tilespmem:s25+$0xD0]  }
0x192: {  	[tilespmem:s25+$0x70] =	vst v3;
	v5 =	vmul.f32 $8.000000000e+00, v7;
	v3 =	vld [tilespmem:s25+$0xE0]  }
0x193: {  	s25 =	sadd.s32 $0x200, s25;
	v4 =	vld [tilespmem:s21+$0xFFFFFF00];
	[tilespmem:s21+$0x80] =	vst v6;
	v6 =	vmul.f32 $8.000000000e+00, v8  }
0x194: {  	[tilespmem:s21+$0x90] =	vst v5;
	v0 =	vmul.f32 $8.000000000e+00, v0  }
0x195: {  	[tilespmem:s21+$0xA0] =	vst v6;
	v1 =	vmul.f32 $8.000000000e+00, v1  }
0x196: {  	[tilespmem:s21+$0xB0] =	vst v0;
	v61 =	vmul.f32 $8.000000000e+00, v2  }
0x197: {  	[tilespmem:s21+$0xC0] =	vst v1;
	v62 =	vmul.f32 $8.000000000e+00, v3  }
0x198: {  	v63 =	vmul.f32 $8.000000000e+00, v4;
	[tilespmem:s21+$0xD0] =	vst v61  }
0x199: {  	[tilespmem:s21+$0xE0] =	vst v62  }
0x19a: {  	s19 =	sadd.s32 $0x1, s19;
	[tilespmem:s21+$0xFFFFFF00] =	vst v63  }
0x19b: {  	[hbm4b:s9+s3] =	stream.linear.scatter [tilespmem:s22], [sflag:$0x4], $0xA000, $0x38;
	[tilespmem:$0x15900] =	vst v63  }
0x19c: {  	p0 =	sne.s32 s19, s10;
	_ =	swait.ge [sflag:s15], $0xA000  }
.Ltmp5:
0x19d: {  	[sflag:s15] =	ssyncset.done $0x0;
	(pc) =	sbr.rel @p0 .LBB2_1-.Ltmp5, $4  }
0x19e: {  	[sflag:s15] =	ssyncadd.s32 $0xFFFF6000  }
0x19f: {  	_ =	swait.ge [sflag:s17], $0xA000  }
0x1a0: {  	[sflag:s17] =	ssyncset.done $0x0  }
0x1a1: {  	[sflag:s17] =	ssyncadd.s32 $0xFFFF6000  }
0x1a2: {  	_ =	sfence.sel $0x180000  }
0x1a3: {  	[bflag:$0x0] =	sbarrier.arrive $0xFFFF  }
0x1a4: {  	_ =	strace $0x90000047  }
0x1a5: {  	s0 =	stileid.u32;
	[bflag:$0x2] =	sbarrier.arrive $0xFFFF  }
0x1a6: {  	p0 =	sne.s32 s0, $0x0;
	s0 =	rddreg [dreg:$0x2]  }
0x1a7: {  	s0 =	sadd.s32 @!p0 $0x100000, s0  }
0x1a8: {  	[sflag:s0] =	ssyncadd.tile.s32 @!p0 $0x1;
	_ =	shalt  }
.Lfunc_end2:
_tile_overlayer_lowered:
.L_overlay_start_2:
0x1a9: {  	(tag) =	ssettag $0x2  }
0x1aa: {  	s0 =	rddreg [dreg:$0x0];
	s2 =	stileid.u32  }
0x1ab: {  	s1 =	rddreg [dreg:$0x1];
	p0 =	sne.s32 s2, $0x0  }
0x1ac: {  	s3 =	rddreg [dreg:$0x2];
	[bflag:$0x3] =	sbarrier.arrive $0xFFFF;
	s2 =	simm.s32 @!p0 $0x1C05  }
0x1ad: {  	[timem:s3], [sflag:s2] =	dma.local @!p0 [hbm:s0], s1  }
0x1ae: {  	s0 =	simm.s32 @!p0 $0x5  }
0x1af: {  	_ =	swait.ge @!p0 [sflag:s0], s1  }
0x1b0: {  	s1 =	ssub.s32 @!p0 $0x0, s1;
	[sflag:s0] =	ssyncset.done @!p0 $0x0  }
0x1b1: {  	[sflag:s0] =	ssyncadd.s32 @!p0 s1  }
0x1b2: {  	[bflag:$0x3] =	sbarrier.arrive $0xFFFF  }
0x1b3: {  	_ =	shalt  }

// kernel: sparse-core-data-format-call.cloned.1.call-start
scs
called_computation_lowered:
.L_overlay_start_0:
0x0: {  	s2 =	sld [smem:$0x3FD9]  }
0x1: {  	s3 =	sld [smem:$0x3FFE];
	_ =	sdelay $0x1  }
0x2: {  	s1 =	srdreg.scid  }
0x3: {  	s0 =	sand.u32 $0x1, s1  }
0x4: {  	s18 =	sshll.u32 s0, $0xA;
	s2 =	sadd.s32 s3, s2  }
0x5: {  	s2 =	sadd.s32 s2, s18  }
0x6: {  	[smem:$0x3FC6] =	sst s2  }
0x7: {  	_ = 	snop  }
0x8: {  	s2 =	sld [smem:$0x3FD0];
	(tm) =	ssettm $0x1  }
0x9: {  	s19 =	sld [smem:$0x3FFB];
	_ =	sdelay $0x3  }
0xa: {  	_ =	strace s19  }
0xb: {  	s3 =	sld [smem:$0x3FFC];
	_ =	sdelay $0x3  }
0xc: {  	_ =	strace s3  }
0xd: {  	s3 =	sld [smem:$0x3FFD];
	_ =	sdelay $0x3  }
0xe: {  	_ =	strace s3  }
0xf: {  	_ =	strace $0x8FFFFFFF  }
0x10: {  	s20 =	sld [smem:$0x3FDB];
	_ =	sdelay $0x1  }
0x11: {  	s4 =	simm.s32 $_scs_section_size  }
0x12: {  	s5 =	simm.s32 $_size__tile_overlayer_lowered;
	s6 =	simm.s32 $_tile_overlayer_lowered  }
0x13: {  	s23 =	simm.s32 $0x1BFF;
	s22 =	sshll.u32 s6, $0x1;
	s3 =	sadd.s32 s4, s20  }
0x14: {  	s7 =	simm.s32 $0x0;
	s21 =	sshll.u32 s5, $0x1;
	s5 =	sadd.s32 s22, s3  }
0x15: {  	[timem:s7], [sflag:s23] =	dma.local [hbm:s5], s21  }
0x16: {  	_ =	swait.ge [sflag:s23], s21  }
0x17: {  	s4 =	ssub.s32 $0x0, s21;
	[sflag:s23] =	ssyncset.done $0x0  }
0x18: {  	[sflag:s23] =	ssyncadd.s32 s4;
	_ =	sdelay $0x1  }
0x19: {  	s24 =	simm.s32 $0x1B8B  }
0x1a: {  	_ =	swait.ge [sflag:s24], $0x1  }
0x1b: {  	[sflag:s24] =	ssyncset.done $0x0  }
0x1c: {  	s26 =	simm.s32 $0x1B8E;
	s25 =	sld [smem:$0x3FFE];
	[sflag:s24] =	ssyncadd.s32 $0xFFFFFFFF  }
0x1d: {  	s27 =	simm.s32 $execute0_lowered;
	[smem:$0x3FD2] =	sst s26  }
0x1e: {  	s5 =	sshll.u32 s27, $0x1;
	_ =	strace $0x80000049;
	[dreg:$0x1] =	wrdreg $0xFFFFFFFF  }
0x1f: {  	s28 =	simm.s32 $_size_execute0_lowered;
	s3 =	sadd.s32 s3, s5;
	[dreg:$0x0] =	wrdreg $0x0  }
0x20: {  	s5 =	sshll.u32 s28, $0x1;
	[dreg:$0x2] =	wrdreg s3  }
0x21: {  	[dreg:$0x3] =	wrdreg s5  }
0x22: {  	[dreg:$0x4] =	wrdreg $0xC0  }
0x23: {  	_ =	task [dreg:s7], $0x5FFFF  }
0x24: {  	[dreg:$0x1] =	wrdreg $0xFFFFFFFF  }
0x25: {  	[dreg:$0x0] =	wrdreg $0x60  }
0x26: {  	[dreg:$0x2] =	wrdreg s25  }
0x27: {  	[dreg:$0x3] =	wrdreg s2  }
0x28: {  	[dreg:$0x4] =	wrdreg $0x9  }
0x29: {  	_ =	task.clear_ibuf [dreg:s7], $0x5FFFF;
	_ =	strace $0x90000049  }
0x2a: {  	s29 =	simm.s32 $0x9;
	_ =	strace $0x8000004B  }
0x2b: {  	_ =	swait.ge [sflag:s29], $0x1  }
0x2c: {  	[sflag:s29] =	ssyncadd.s32 $0xFFFFFFFF  }
0x2d: {  	_ =	strace $0x9000004B  }
0x2e: {  	_ =	sfence  }
0x2f: {  	s30 =	sld [smem:$0x0];
	_ =	sdelay $0x2  }
0x30: {  	s31 =	sshll.u32 s1, $0xD;
	s1 =	sshrl.u32 s1, $0x2  }
0x31: {  	s3 =	sand.u32 $0x4000, s31;
	s1 =	sadd.s32 s1, s30  }
0x32: {  	s0 =	sor.u32 s3, s0;
	s1 =	sshll.u32 s1, $0x11  }
0x33: {  	s0 =	sor.u32 s1, s0  }
0x34: {  	s0 =	sadd.s32 $0x8F2B, s0  }
0x35: {  	[sflag:s0] =	ssyncadd.remote.s32 $0x1  }
0x36: {  	_ =	sfence.sel $0xFFFF  }
0x37: {  	[dreg:$0x0] =	wrdreg $0xFFFFFFFF;
	(pc) =	sbr.abs _section_cstart, $3  }
0x38: {  	[dreg:$0x1] =	wrdreg $0xFFFFFFFF  }
0x39: {  	_ =	task.clear_ibuf [dreg:s7], $0x2FFFF;
	_ =	strace $0x9FFFFFFF  }
0x3a: {  	(tm) =	ssettm $0x7FFFFFFF  }
0x3b: {  	_ =	shalt  }
tec
execute0_lowered:
.L_overlay_start_1:
0x0: {  	(tag) =	ssettag $0x1  }
0x1: {  	s0 =	srdreg.scid  }
0x2: {  	s1 =	sshll.u32 s0, $0x4  }
0x3: {  	s4 =	rddreg [dreg:$0x0];
	s0 =	stileid.u32;
	s1 =	sand.u32 $0x10, s1  }
0x4: {  	s2 =	rddreg [dreg:$0x1];
	s7 =	simm.s32 $0x1;
	s1 =	sor.u32 s0, s1  }
0x5: {  	s8 =	simm.s32 $0x2;
	s11 =	simm.s32 $0x0;
	s3 =	sshll.u32 s1, $0x7  }
0x6: {  	s10 =	simm.s32 $0x0;
	s4 =	sadd.s32 $0xA00, s4;
	s6 =	ssub.s32 $0x32000, s3  }
.Ltmp0:
0x7: {  	s1 =	rddreg [dreg:$0x2];
	s5 =	sand.u32 $0xF80, s6;
	(pc) =	sbr.rel .LBB1_1-.Ltmp0, $4  }
0x8: {  	_ =	strace $0x8000004A;
	s9 =	smov.u32 s3;
	p0 =	sne.s32 s5, $0x0  }
0x9: {  	s6 =	sshrl.u32 s6, $0xC;
	s5 =	simm.s32 $0x1;
	s7 =	simm.s32 @!p0 $0x0  }
0xa: {  	[sflag:s5] =	ssyncpa.u1 $0x0;
	p0 =	por $0x0, $0x0;
	s6 =	sadd.s32 s7, s6  }
0xb: {  	[sflag:s8] =	ssyncpa.u1 $0x0;
	s8 =	simm.s32 $0x190000;
	s7 =	sadd.s32 $0x1, s6  }
.LBB1_4:
0xc: {  	s14 =	sshll.u32 s11, $0x3  }
0xd: {  	s30 =	sand.u32 $0x7F, s11;
	s15 =	sand.u32 $0xFFFFFC00, s14  }
0xe: {  	s11 =	sor.u32 s30, s15  }
0xf: {  	s15 =	smulhi.u32 $0x51EB851F, s11  }
0x10: {  	s14 =	smulhi.u32 $0x51EB851F, s14  }
0x11: {  	s15 =	sshrl.u32 s15, $0x10  }
0x12: {  	s14 =	sshrl.u32 s14, $0x10;
	s15 =	smul.u32 $0x32000, s15  }
0x13: {  	s14 =	sand.u32 $0x3F, s14  }
0x14: {  	s14 =	smul.u32 $0x6400, s14;
	s11 =	ssub.s32 s11, s15  }
0x15: {  	[tilespmem:s13+$0x810 ss:$0x81] =	vst.msk $0xffff, v2;
	s15 =	sand.u32 $0x7, s11  }
0x16: {  	[tilespmem:s13+$0x1020 ss:$0x81] =	vst.msk $0xffff, v0;
	s14 =	sadd.s32 s2, s14;
	s11 =	sshrl.u32 s11, $0x3;
	s15 =	sshll.u32 s15, $0x12  }
0x17: {  	[tilespmem:s13+$0x0 ss:$0x81] =	vst.msk $0xffff, v1;
	s11 =	sadd.s32 s11, s14;
	s31 =	sor.u32 $0x400, s15  }
0x18: {  	[hbm4b:s11+s31] =	stream.strided.scatter [tilespmem:s12], [sflag:$0x2], $0x2000, s8, s31, $0x20;
	[tilespmem:$0x8080] =	vst v63  }
.LBB1_5:
0x19: {  	s13 =	sadd.s32 $0x1000, s9  }
0x1a: {  	p2 =	sgt.s32 s13, $0x31FFF  }
0x1b: {  	s13 =	smov.u32 @p2 s3;
	p2 =	sne.s32 s10, s7  }
.Ltmp1:
0x1c: {  	p1 =	slt.u32 s10, $0x2;
	(pc) =	sbr.rel @!p2 .LBB1_6-.Ltmp1, $4  }
0x1d: {  	s12 =	simm.s32 @!p1 $0x2  }
0x1e: {  	s14 =	sadd.s32 $0x1, s10;
	_ =	swait.ge @!p1 [sflag:s12], $0x2000  }
0x1f: {  	s11 =	smov.u32 s9;
	p0 =	por !p0, !p0;
	[sflag:s12] =	ssyncset.done @!p1 $0x0  }
0x20: {  	s10 =	smov.u32 s14;
	s9 =	smov.u32 s13;
	[sflag:s12] =	ssyncadd.s32 @!p1 $0xFFFFE000  }
.LBB1_1:
0x21: {  	p1 =	sge.u32 s10, s6  }
0x22: {  	s12 =	sand.u32 @!p1 $0x1FFFFFF, s9  }
0x23: {  	s13 =	smulhi.u32 @!p1 $0x147AE15, s12;
	_ =	sdelay $0x1  }
0x24: {  	s13 =	sshrl.u32 @!p1 s13, $0xA  }
0x25: {  	s13 =	smul.u32 @!p1 $0x32000, s13;
	_ =	sdelay $0x1  }
0x26: {  	s31 =	sadd.s32 $0xFFFFFFFF, s10;
	s14 =	sxor.u32 @!p1 $0xFFFFFFFF, s10;
	s12 =	ssub.s32 @!p1 s12, s13  }
0x27: {  	s15 =	simm.s32 @!p1 $0x80;
	s14 =	sshll.u32 @!p1 s14, $0xD;
	s12 =	sshll.u32 @!p1 s12, $0x4  }
0x28: {  	s13 =	sand.u32 @!p1 $0x2000, s14;
	s14 =	simm.s32 @!p1 $0x40;
	s12 =	sadd.s32 @!p1 s4, s12  }
0x29: {  	[tilespmem:s13], [sflag:$0x1] =	stream.strided.gather @!p1 [hbm4b:s12+s14], $0x2000, s15, s14, $0x38;
	[tilespmem:$0x8080] =	vst v63  }
0x2a: {  	p1 =	sge.u32 s31, s6  }
.Ltmp2:
0x2b: {  	_ = 	snop;
	(pc) =	sbr.rel @p1 .LBB1_5-.Ltmp2, $1  }
0x2c: {  	_ =	sdelay $0x3  }
0x2d: {  	s12 =	simm.s32 $0x1  }
0x2e: {  	_ =	swait.ge [sflag:s5], $0x2000;
	s12 =	simm.s32 @!p0 $0x0  }
0x2f: {  	[sflag:s5] =	ssyncset.done $0x0;
	s13 =	sshll.u32 s12, $0xD  }
0x30: {  	[sflag:s5] =	ssyncadd.s32 $0xFFFFE000;
	s16 =	sor.u32 $0x20, s13  }
0x31: {  	s12 =	smul.u32 $0x8100, s12;
	v3 =	vld [tilespmem:s16+$0x10]  }
0x32: {  	s30 =	sand.u32 $0x1, s10;
	v2 =	vld [tilespmem:s16+$0xFFFFFFF0]  }
0x33: {  	s13 =	smul.u32 $0x8100, s30;
	s12 =	sshrl.u32 s12, $0x2;
	v0 =	vld [tilespmem:s16+$0x0]  }
0x34: {  	v1 =	vld [tilespmem:s16+$0xFFFFFFE0];
	s14 =	sor.u32 $0x4000, s12  }
0x35: {  	s31 =	sshrl.u32 s13, $0x2;
	s13 =	sadd.s32 $0x0, s14  }
0x36: {  	s15 =	simm.s32 $0x4;
	s16 =	sadd.s32 $0x40, s16;
	s12 =	sor.u32 $0x4000, s31;
	[tilespmem:s13+$0x1830 ss:$0x81] =	vst.msk $0xffff, v3  }
.LBB1_3:
0x37: {  	v3 =	vld [tilespmem:s16+$0x10];
	p1 =	sne.s32 s15, $0x1FC;
	[tilespmem:s13+$0x810 ss:$0x81] =	vst.msk $0xffff, v2;
	s17 =	smov.u32 s15;
	s15 =	sadd.s32 $0x4, s15  }
.Ltmp3:
0x38: {  	v2 =	vld [tilespmem:s16+$0xFFFFFFF0];
	[tilespmem:s13+$0x1020 ss:$0x81] =	vst.msk $0xffff, v0;
	(pc) =	sbr.rel @p1 .LBB1_3-.Ltmp3, $4  }
0x39: {  	v0 =	vld [tilespmem:s16+$0x0];
	[tilespmem:s13+$0x0 ss:$0x81] =	vst.msk $0xffff, v1  }
0x3a: {  	s13 =	sshra.s32 s17, $0x2;
	v1 =	vld [tilespmem:s16+$0xFFFFFFE0]  }
0x3b: {  	s13 =	sadd.s32 s13, s14  }
0x3c: {  	s16 =	sadd.s32 $0x40, s16;
	[tilespmem:s13+$0x1830 ss:$0x81] =	vst.msk $0xffff, v3  }
.Ltmp4:
0x3d: {  	_ = 	snop;
	(pc) =	sbr.rel .LBB1_4-.Ltmp4, $1  }
0x3e: {  	_ =	sdelay $0x3  }
.LBB1_6:
0x3f: {  	_ =	sfence.sel $0x180000  }
0x40: {  	s2 =	simm.s32 $0x1;
	[bflag:$0x0] =	sbarrier.arrive $0xFFFF  }
0x41: {  	s31 =	simm.s32 $0x2;
	[sflag:s2] =	ssyncpa.u1 $0x1  }
0x42: {  	[sflag:s31] =	ssyncpa.u1 $0x1  }
0x43: {  	p0 =	sne.s32 s0, $0x0;
	_ =	strace $0x9000004A  }
0x44: {  	s0 =	sadd.s32 @!p0 $0x100000, s1;
	[bflag:$0x2] =	sbarrier.arrive $0xFFFF  }
0x45: {  	[sflag:s0] =	ssyncadd.tile.s32 @!p0 $0x1;
	_ =	shalt  }
.Lfunc_end1:
_tile_overlayer_lowered:
.L_overlay_start_2:
0x46: {  	(tag) =	ssettag $0x2  }
0x47: {  	s0 =	rddreg [dreg:$0x0];
	s2 =	stileid.u32  }
0x48: {  	s1 =	rddreg [dreg:$0x1];
	p0 =	sne.s32 s2, $0x0  }
0x49: {  	s3 =	rddreg [dreg:$0x2];
	[bflag:$0x3] =	sbarrier.arrive $0xFFFF;
	s2 =	simm.s32 @!p0 $0x1C01  }
0x4a: {  	[timem:s3], [sflag:s2] =	dma.local @!p0 [hbm:s0], s1  }
0x4b: {  	s0 =	simm.s32 @!p0 $0x1  }
0x4c: {  	_ =	swait.ge @!p0 [sflag:s0], s1  }
0x4d: {  	s1 =	ssub.s32 @!p0 $0x0, s1;
	[sflag:s0] =	ssyncset.done @!p0 $0x0  }
0x4e: {  	[sflag:s0] =	ssyncadd.s32 @!p0 s1  }
0x4f: {  	[bflag:$0x3] =	sbarrier.arrive $0xFFFF  }
0x50: {  	_ =	shalt  }

</sc_bundles>
